<compile_context>
chip_gen: v7x
topology: tpu7x:2x2x1
jax: 0.10.2.dev20260603
libtpu: 0.0.44.dev20260713+nightly
codegen_flags: <defaults>
</compile_context>

<pallas_src>
import functools

import jax
import jax.numpy as jnp
from jax import lax
from jax.experimental import pallas as pl
from jax.experimental.pallas import tpu as pltpu
from jax.experimental.pallas import tpu_sc as plsc

D = 1024
H = 1024
N = 8
KS = 1
M = 2048
BM = 512
NW = 32
CH = M // NW
NB = M // BM
T = 16



def _router_body(x_ref, wg_ref, b_ref, pos_ref, w_ref, offs_ref, cnts_ref,
                 se_ref, sb_ref, sv_ref):
    x = x_ref[...]
    wg = wg_ref[...]
    logits = jnp.dot(x, wg, preferred_element_type=jnp.float32)
    s = 1.0 / (1.0 + jnp.exp(-logits))
    biased = s + b_ref[...]
    maxv = jnp.max(biased, axis=1, keepdims=True)
    iota_n = lax.broadcasted_iota(jnp.int32, (M, N), 1)
    e_idx = jnp.min(jnp.where(biased == maxv, iota_n, N), axis=1,
                    keepdims=True)
    onehot = (iota_n == e_idx).astype(jnp.float32)
    s_e = jnp.sum(s * onehot, axis=1, keepdims=True)
    w_ref[...] = jnp.broadcast_to(s_e / (s_e + 1e-9), (M, 128))
    row_i = lax.broadcasted_iota(jnp.int32, (M, M), 0)
    col_i = lax.broadcasted_iota(jnp.int32, (M, M), 1)
    tri = (col_i < row_i).astype(jnp.float32)
    before = jnp.dot(tri, onehot, preferred_element_type=jnp.float32)
    counts = jnp.sum(onehot, axis=0, keepdims=True)
    e_r = lax.broadcasted_iota(jnp.int32, (N, N), 0)
    e_c = lax.broadcasted_iota(jnp.int32, (N, N), 1)
    upper = (e_r < e_c).astype(jnp.float32)
    offs = jnp.dot(counts, upper, preferred_element_type=jnp.float32,
                   precision=lax.Precision.HIGHEST)
    pos = jnp.sum((before + offs) * onehot, axis=1, keepdims=True)
    pos_ref[...] = pos.astype(jnp.int32)
    offs_ref[...] = offs.astype(jnp.int32)
    cnts_ref[...] = counts.astype(jnp.int32)

    F = N * NB
    k_e = ((lax.broadcasted_iota(jnp.int32, (F, 1), 0) // NB) + (N - 1)) % N
    k_b = lax.broadcasted_iota(jnp.int32, (F, 1), 0) % NB
    sel = (lax.broadcasted_iota(jnp.int32, (F, N), 1) == k_e)
    selF = sel.astype(jnp.float32)
    start_k = jnp.sum(offs * selF, axis=1, keepdims=True)
    cnt_k = jnp.sum(counts * selF, axis=1, keepdims=True)
    row0_k = (k_b * BM).astype(jnp.float32)
    is_shared_k = k_e >= N - KS
    act = (is_shared_k |
           ((cnt_k > 0) & (start_k < row0_k + BM) &
            (start_k + cnt_k > row0_k))).astype(jnp.float32)
    tri_f = (lax.broadcasted_iota(jnp.int32, (F, F), 1) <
             lax.broadcasted_iota(jnp.int32, (F, F), 0)).astype(jnp.float32)
    rank_k = jnp.dot(tri_f, act, preferred_element_type=jnp.float32)
    slot = lax.broadcasted_iota(jnp.int32, (F, T), 1)
    P = act * (rank_k == slot.astype(jnp.float32)).astype(jnp.float32)
    valid = jnp.sum(P, axis=0, keepdims=True)
    se = jnp.sum(k_e.astype(jnp.float32) * P, axis=0, keepdims=True)
    sb = jnp.sum(k_b.astype(jnp.float32) * P, axis=0, keepdims=True)
    se = jnp.where(valid > 0, se, float(N - 1))
    sb = jnp.where(valid > 0, sb, float(NB - 1))
    se_ref[...] = se.astype(jnp.int32)
    sb_ref[...] = sb.astype(jnp.int32)
    sv_ref[...] = valid.astype(jnp.int32)


def _router_call(x_MD, Wg_DN, b_1N):
    return pl.pallas_call(
        _router_body,
        out_shape=(
            jax.ShapeDtypeStruct((M, 1), jnp.int32),
            jax.ShapeDtypeStruct((M, 128), jnp.float32),
            jax.ShapeDtypeStruct((1, N), jnp.int32),
            jax.ShapeDtypeStruct((1, N), jnp.int32),
            jax.ShapeDtypeStruct((1, T), jnp.int32),
            jax.ShapeDtypeStruct((1, T), jnp.int32),
            jax.ShapeDtypeStruct((1, T), jnp.int32),
        ),
    )(x_MD, Wg_DN, b_1N)



def _dispatch_body(x_hbm, pos_hbm, w_hbm, xs_hbm, ws_hbm,
                   idx_v, rows_v, w_v, sem1, sem2):
    wid = lax.axis_index("s") * 2 + lax.axis_index("c")
    base = wid * CH
    pltpu.sync_copy(pos_hbm.at[pl.ds(base, CH)], idx_v)
    pltpu.sync_copy(x_hbm.at[pl.ds(base, CH)], rows_v)
    pltpu.sync_copy(w_hbm.at[pl.ds(base, CH)], w_v)
    cp1 = pltpu.async_copy(rows_v, xs_hbm.at[idx_v], sem1)
    cp2 = pltpu.async_copy(w_v, ws_hbm.at[idx_v], sem2)
    cp1.wait()
    cp2.wait()


def _dispatch_call(x_MD, pos_M, w_M16):
    mesh = plsc.VectorSubcoreMesh(core_axis_name="c", subcore_axis_name="s")
    f = functools.partial(
        pl.kernel, _dispatch_body, mesh=mesh,
        out_type=(
            jax.ShapeDtypeStruct((M, D), jnp.float32),
            jax.ShapeDtypeStruct((M, 128), jnp.float32),
        ),
        scratch_types=[
            pltpu.VMEM((CH,), jnp.int32),
            pltpu.VMEM((CH, D), jnp.float32),
            pltpu.VMEM((CH, 128), jnp.float32),
            pltpu.SemaphoreType.DMA,
            pltpu.SemaphoreType.DMA,
        ],
    )()
    return f(x_MD, pos_M, w_M16)



def _mlp_body(offs_ref, cnts_ref, se_ref, sb_ref, sv_ref,
              xs_ref, ws_ref, w1_ref, w2_ref, out_ref):
    t = pl.program_id(0)
    e = se_ref[t]
    b = sb_ref[t]
    row0 = b * BM

    start = offs_ref[e]
    end = start + cnts_ref[e]
    shared = e >= N - KS
    x = xs_ref[...]
    h = jnp.dot(x, w1_ref[0], preferred_element_type=jnp.float32)
    h1 = h[:, :H]
    h2 = h[:, H:]
    g = h1 * (1.0 / (1.0 + jnp.exp(-h1))) * h2
    o = jnp.dot(g, w2_ref[0], preferred_element_type=jnp.float32)
    ridx = row0 + lax.broadcasted_iota(jnp.int32, (BM, 1), 0)
    inrange = ((ridx >= start) & (ridx < end)).astype(jnp.float32)
    wcol = ws_ref[:, 0:1]
    scale = jnp.where(shared, jnp.ones_like(wcol), wcol * inrange)
    scale = scale * sv_ref[t].astype(jnp.float32)

    @pl.when(t < NB)
    def _first():
        out_ref[pl.ds(row0, BM), :] = o * scale

    @pl.when(t >= NB)
    def _acc():
        out_ref[pl.ds(row0, BM), :] += o * scale


def _mlp_call(xs_MD, ws_M16, W1, W2, offs, cnts, se, sb, sv):
    grid_spec = pltpu.PrefetchScalarGridSpec(
        num_scalar_prefetch=5,
        grid=(T,),
        in_specs=[
            pl.BlockSpec((BM, D), lambda t, o_, c_, se_, sb_, sv_: (sb_[t], 0)),
            pl.BlockSpec((BM, 128), lambda t, o_, c_, se_, sb_, sv_: (sb_[t], 0)),
            pl.BlockSpec((1, D, 2 * H),
                         lambda t, o_, c_, se_, sb_, sv_: (se_[t], 0, 0)),
            pl.BlockSpec((1, H, D),
                         lambda t, o_, c_, se_, sb_, sv_: (se_[t], 0, 0)),
        ],
        out_specs=pl.BlockSpec((M, D), lambda t, o_, c_, se_, sb_, sv_: (0, 0)),
    )
    return pl.pallas_call(
        _mlp_body,
        grid_spec=grid_spec,
        out_shape=jax.ShapeDtypeStruct((M, D), jnp.float32),
        compiler_params=pltpu.CompilerParams(
            dimension_semantics=("arbitrary",),
        ),
    )(offs, cnts, se, sb, sv, xs_MD, ws_M16, W1, W2)



def _combine_body(out_hbm, pos_hbm, y_hbm, idx_v, rows_v, sem):
    wid = lax.axis_index("s") * 2 + lax.axis_index("c")
    base = wid * CH
    pltpu.sync_copy(pos_hbm.at[pl.ds(base, CH)], idx_v)
    pltpu.async_copy(out_hbm.at[idx_v], rows_v, sem).wait()
    pltpu.sync_copy(rows_v, y_hbm.at[pl.ds(base, CH)])


def _combine_call(out_MD, pos_M):
    mesh = plsc.VectorSubcoreMesh(core_axis_name="c", subcore_axis_name="s")
    f = functools.partial(
        pl.kernel, _combine_body, mesh=mesh,
        out_type=jax.ShapeDtypeStruct((M, D), jnp.float32),
        scratch_types=[
            pltpu.VMEM((CH,), jnp.int32),
            pltpu.VMEM((CH, D), jnp.float32),
            pltpu.SemaphoreType.DMA,
        ],
    )()
    return f(out_MD, pos_M)



def kernel(x_BSD, Wg_DN, Wl1_ND2H, Wl2_NHD, biases_N):
    Bq, Sq, Dq = x_BSD.shape
    x_MD = x_BSD.reshape(Bq * Sq, Dq)
    pos2d, w_M16, offs, cnts, se, sb, sv = _router_call(
        x_MD, Wg_DN, biases_N.reshape(1, N))
    pos_M = pos2d.reshape(Bq * Sq)
    xs_MD, ws_M16 = _dispatch_call(x_MD, pos_M, w_M16)
    out_MD = _mlp_call(xs_MD, ws_M16, Wl1_ND2H, Wl2_NHD,
                       offs.reshape(N), cnts.reshape(N),
                       se.reshape(T), sb.reshape(T), sv.reshape(T))
    y_MD = _combine_call(out_MD, pos_M)
    return y_MD.reshape(Bq, Sq, Dq)

# --- scband reference (transcript-rebuilt; emitter-appended) ---
"""Pipeline reference for scband-mo-e-54185307406693 (READ-ONLY COPY).

The authoritative reference and input builder live on the scoring server;
editing this copy changes nothing except your own understanding.
"""

import jax, jax.numpy as jnp
import numpy as np

D = 1024   # embedding_dim
H = 1024   # intermediate_dim
N = 8      # num_experts
K = 2      # num_chosen_experts (total, incl. shared)
Ks = 1     # num_shared_experts
B, S = 1, 2048


def setup_inputs(seed: int = 0) -> dict:
    key = jax.random.key(seed)
    k1, k2, k3, k4 = jax.random.split(key, 4)
    x_BSD = jax.random.normal(k1, (B, S, D), dtype=jnp.float32)
    # learned parameters
    Wg_DN = jax.random.normal(k2, (D, N), dtype=jnp.float32) * 0.02
    Wl1_ND2H = jax.random.normal(k3, (N, D, 2 * H), dtype=jnp.float32) * 0.02
    Wl2_NHD = jax.random.normal(k4, (N, H, D), dtype=jnp.float32) * 0.02
    # non-trainable router biases: zeros for routed experts, -inf for shared experts
    biases_N = jnp.concatenate([
        jnp.zeros(N - Ks, dtype=jnp.float32),
        jnp.full((Ks,), -jnp.inf, dtype=jnp.float32),
    ])
    return {"x_BSD": x_BSD, "Wg_DN": Wg_DN, "Wl1_ND2H": Wl1_ND2H,
            "Wl2_NHD": Wl2_NHD, "biases_N": biases_N}


def reference(x_BSD, Wg_DN, Wl1_ND2H, Wl2_NHD, biases_N):
    Bq, Sq, Dq = x_BSD.shape
    M = Bq * Sq
    x_MD = x_BSD.reshape(M, Dq)

    # ---- TopKRouter ----
    logits_MN = x_MD @ Wg_DN
    s_MN = jax.nn.sigmoid(logits_MN)
    # bias-adjusted scores for selection (aux-loss-free load balancing);
    # shared experts carry -inf bias so they are never picked by top-k
    biased_MN = s_MN + biases_N[None, :]
    k_routed = K - Ks
    _, topi = jax.lax.top_k(biased_MN, k_routed)            # [M, K-Ks]
    mask_routed_MN = jnp.sum(jax.nn.one_hot(topi, N, dtype=x_MD.dtype), axis=1)  # [M, N]
    # combine weights use UNbiased scores, normalized over selected routed experts
    w_routed_MN = s_MN * mask_routed_MN
    w_routed_MN = w_routed_MN / (jnp.sum(w_routed_MN, axis=-1, keepdims=True) + 1e-9)
    shared_mask_N = jnp.concatenate([
        jnp.zeros(N - Ks, dtype=x_MD.dtype), jnp.ones(Ks, dtype=x_MD.dtype)
    ])
    weights_MN = w_routed_MN + shared_mask_N[None, :]       # shared experts weight 1
    mask_NM = (mask_routed_MN + shared_mask_N[None, :]).T    # [N, M] token->expert mask
    sizes_N = jnp.sum(mask_NM, axis=-1)

    # ---- MoMoE: per-expert gated (SwiGLU) MLP, dense-over-experts reference ----
    h_NM2H = jnp.einsum('md,ndh->nmh', x_MD, Wl1_ND2H)
    g_NMH = jax.nn.silu(h_NM2H[..., :H]) * h_NM2H[..., H:]
    eo_NMD = jnp.einsum('nmh,nhd->nmd', g_NMH, Wl2_NHD)
    y_MD = jnp.einsum('nmd,mn->md', eo_NMD, weights_MN)

    y_BSD = y_MD.reshape(Bq, Sq, Dq)
    return y_BSD

if __name__ == "__main__":
    import jax
    _d = setup_inputs()
    print(jax.jit(kernel)(*tuple(_d.values())))

</pallas_src>

<mosaic_0001>
#map = affine_map<(d0, d1) -> (0, 0)>
#map1 = affine_map<(d0, d1) -> (0)>
module attributes {stable_mosaic.version = 14 : i64} {
  func.func @_combine_body(%arg0: i32, %arg1: i32, %arg2: memref<2048x1024xf32, #tpu.memory_space<hbm>>, %arg3: memref<2048xi32, #tpu.memory_space<hbm>>, %arg4: memref<2048x1024xf32, #tpu.memory_space<hbm>>, %arg5: memref<64xi32, #tpu.memory_space<vmem>>, %arg6: memref<64x1024xf32, #tpu.memory_space<vmem>>, %arg7: memref<!tpu.dma_semaphore, #tpu.memory_space<semaphore_mem>>) attributes {dimension_semantics = [#tpu.dimension_semantics<core_parallel>, #tpu.dimension_semantics<subcore_parallel>], iteration_bounds = array<i64: 2, 16>, scalar_prefetch = 0 : i64, scratch_operands = 3 : i64, tpu.core_type = #tpu.core_type<sc_vector_subcore>, window_params = [{transform_indices = #map}, {transform_indices = #map1}, {transform_indices = #map}]} {
    %mul3A = arith.constant 2 : i32
    %mul3A_0 = arith.muli %arg1, %mul3A : i32
    %add3A = arith.addi %mul3A_0, %arg0 : i32
    %mul3A_1 = arith.constant 64 : i32
    %mul3A_2 = arith.muli %add3A, %mul3A_1 : i32
    "tpu.region"() ({
      %run_scoped3A = tpu.sem_alloc : memref<!tpu.dma_semaphore, #tpu.memory_space<semaphore_mem>>
      %dma_start3A_7 = tpu.memref_slice %arg3[%mul3A_2] : memref<2048xi32, #tpu.memory_space<hbm>> -> memref<64xi32, #tpu.memory_space<hbm>>
      %dma_start3A_8 = tpu.memref_slice %arg3[%mul3A_2] : memref<2048xi32, #tpu.memory_space<hbm>> -> memref<64xi32, #tpu.memory_space<hbm>>
      tpu.enqueue_dma source(%dma_start3A_8 : memref<64xi32, #tpu.memory_space<hbm>>) target(%arg5 : memref<64xi32, #tpu.memory_space<vmem>>) target_semaphore(%run_scoped3A : memref<!tpu.dma_semaphore, #tpu.memory_space<semaphore_mem>>)
      %dma_wait3A_9 = tpu.memref_slice %arg3[%mul3A_2] : memref<2048xi32, #tpu.memory_space<hbm>> -> memref<64xi32, #tpu.memory_space<hbm>>
      %dma_wait3A_10 = tpu.memref_slice %arg3[%mul3A_2] : memref<2048xi32, #tpu.memory_space<hbm>> -> memref<64xi32, #tpu.memory_space<hbm>>
      tpu.wait_dma2 semaphore(%run_scoped3A : memref<!tpu.dma_semaphore, #tpu.memory_space<semaphore_mem>>) src(%dma_wait3A_10 : memref<64xi32, #tpu.memory_space<hbm>>) dst(%arg5 : memref<64xi32, #tpu.memory_space<vmem>>)
      tpu.yield
    }) : () -> ()
    %dma_start3A = arith.constant 0 : i32
    %dma_start3A_3 = arith.constant 0 : i32
    %dma_start3A_4 = tpu.memref_slice %arg2[%dma_start3A, %dma_start3A_3] : memref<2048x1024xf32, #tpu.memory_space<hbm>> -> memref<2048x1024xf32, #tpu.memory_space<hbm>>
    tpu.enqueue_indirect_dma source(%dma_start3A_4 : memref<2048x1024xf32, #tpu.memory_space<hbm>>) target(%arg6 : memref<64x1024xf32, #tpu.memory_space<vmem>>) offsets(%arg5 : memref<64xi32, #tpu.memory_space<vmem>>) semaphore(%arg7 : memref<!tpu.dma_semaphore, #tpu.memory_space<semaphore_mem>>)
    %dma_wait3A = arith.constant 0 : i32
    %dma_wait3A_5 = arith.constant 0 : i32
    %dma_wait3A_6 = tpu.memref_slice %arg2[%dma_wait3A, %dma_wait3A_5] : memref<2048x1024xf32, #tpu.memory_space<hbm>> -> memref<2048x1024xf32, #tpu.memory_space<hbm>>
    tpu.wait_indirect_dma semaphore(%arg7 : memref<!tpu.dma_semaphore, #tpu.memory_space<semaphore_mem>>) src(%dma_wait3A_6 : memref<2048x1024xf32, #tpu.memory_space<hbm>>) dst(%arg6 : memref<64x1024xf32, #tpu.memory_space<vmem>>)
    "tpu.region"() ({
      %run_scoped3A = tpu.sem_alloc : memref<!tpu.dma_semaphore, #tpu.memory_space<semaphore_mem>>
      %dma_start3A_7 = arith.constant 0 : i32
      %dma_start3A_8 = tpu.memref_slice %arg4[%mul3A_2, %dma_start3A_7] : memref<2048x1024xf32, #tpu.memory_space<hbm>> -> memref<64x1024xf32, #tpu.memory_space<hbm>>
      %dma_start3A_9 = arith.constant 0 : i32
      %dma_start3A_10 = tpu.memref_slice %arg4[%mul3A_2, %dma_start3A_9] : memref<2048x1024xf32, #tpu.memory_space<hbm>> -> memref<64x1024xf32, #tpu.memory_space<hbm>>
      tpu.enqueue_dma source(%arg6 : memref<64x1024xf32, #tpu.memory_space<vmem>>) target(%dma_start3A_10 : memref<64x1024xf32, #tpu.memory_space<hbm>>) target_semaphore(%run_scoped3A : memref<!tpu.dma_semaphore, #tpu.memory_space<semaphore_mem>>)
      %dma_wait3A_11 = arith.constant 0 : i32
      %dma_wait3A_12 = tpu.memref_slice %arg4[%mul3A_2, %dma_wait3A_11] : memref<2048x1024xf32, #tpu.memory_space<hbm>> -> memref<64x1024xf32, #tpu.memory_space<hbm>>
      %dma_wait3A_13 = arith.constant 0 : i32
      %dma_wait3A_14 = tpu.memref_slice %arg4[%mul3A_2, %dma_wait3A_13] : memref<2048x1024xf32, #tpu.memory_space<hbm>> -> memref<64x1024xf32, #tpu.memory_space<hbm>>
      tpu.wait_dma2 semaphore(%run_scoped3A : memref<!tpu.dma_semaphore, #tpu.memory_space<semaphore_mem>>) src(%arg6 : memref<64x1024xf32, #tpu.memory_space<vmem>>) dst(%dma_wait3A_14 : memref<64x1024xf32, #tpu.memory_space<hbm>>)
      tpu.yield
    }) : () -> ()
    return
  }
}

#map = affine_map<(d0, d1) -> (0, 0)>
#map1 = affine_map<(d0, d1) -> (0)>
module attributes {stable_mosaic.version = 14 : i64} {
  func.func @_dispatch_body(%arg0: i32, %arg1: i32, %arg2: memref<2048x1024xf32, #tpu.memory_space<hbm>>, %arg3: memref<2048xi32, #tpu.memory_space<hbm>>, %arg4: memref<2048x128xf32, #tpu.memory_space<hbm>>, %arg5: memref<2048x1024xf32, #tpu.memory_space<hbm>>, %arg6: memref<2048x128xf32, #tpu.memory_space<hbm>>, %arg7: memref<64xi32, #tpu.memory_space<vmem>>, %arg8: memref<64x1024xf32, #tpu.memory_space<vmem>>, %arg9: memref<64x128xf32, #tpu.memory_space<vmem>>, %arg10: memref<!tpu.dma_semaphore, #tpu.memory_space<semaphore_mem>>, %arg11: memref<!tpu.dma_semaphore, #tpu.memory_space<semaphore_mem>>) attributes {dimension_semantics = [#tpu.dimension_semantics<core_parallel>, #tpu.dimension_semantics<subcore_parallel>], iteration_bounds = array<i64: 2, 16>, scalar_prefetch = 0 : i64, scratch_operands = 5 : i64, tpu.core_type = #tpu.core_type<sc_vector_subcore>, window_params = [{transform_indices = #map}, {transform_indices = #map1}, {transform_indices = #map}, {transform_indices = #map}, {transform_indices = #map}]} {
    %mul3A = arith.constant 2 : i32
    %mul3A_0 = arith.muli %arg1, %mul3A : i32
    %add3A = arith.addi %mul3A_0, %arg0 : i32
    %mul3A_1 = arith.constant 64 : i32
    %mul3A_2 = arith.muli %add3A, %mul3A_1 : i32
    "tpu.region"() ({
      %run_scoped3A = tpu.sem_alloc : memref<!tpu.dma_semaphore, #tpu.memory_space<semaphore_mem>>
      %dma_start3A_13 = tpu.memref_slice %arg3[%mul3A_2] : memref<2048xi32, #tpu.memory_space<hbm>> -> memref<64xi32, #tpu.memory_space<hbm>>
      %dma_start3A_14 = tpu.memref_slice %arg3[%mul3A_2] : memref<2048xi32, #tpu.memory_space<hbm>> -> memref<64xi32, #tpu.memory_space<hbm>>
      tpu.enqueue_dma source(%dma_start3A_14 : memref<64xi32, #tpu.memory_space<hbm>>) target(%arg7 : memref<64xi32, #tpu.memory_space<vmem>>) target_semaphore(%run_scoped3A : memref<!tpu.dma_semaphore, #tpu.memory_space<semaphore_mem>>)
      %dma_wait3A_15 = tpu.memref_slice %arg3[%mul3A_2] : memref<2048xi32, #tpu.memory_space<hbm>> -> memref<64xi32, #tpu.memory_space<hbm>>
      %dma_wait3A_16 = tpu.memref_slice %arg3[%mul3A_2] : memref<2048xi32, #tpu.memory_space<hbm>> -> memref<64xi32, #tpu.memory_space<hbm>>
      tpu.wait_dma2 semaphore(%run_scoped3A : memref<!tpu.dma_semaphore, #tpu.memory_space<semaphore_mem>>) src(%dma_wait3A_16 : memref<64xi32, #tpu.memory_space<hbm>>) dst(%arg7 : memref<64xi32, #tpu.memory_space<vmem>>)
      tpu.yield
    }) : () -> ()
    "tpu.region"() ({
      %run_scoped3A = tpu.sem_alloc : memref<!tpu.dma_semaphore, #tpu.memory_space<semaphore_mem>>
      %dma_start3A_13 = arith.constant 0 : i32
      %dma_start3A_14 = tpu.memref_slice %arg2[%mul3A_2, %dma_start3A_13] : memref<2048x1024xf32, #tpu.memory_space<hbm>> -> memref<64x1024xf32, #tpu.memory_space<hbm>>
      %dma_start3A_15 = arith.constant 0 : i32
      %dma_start3A_16 = tpu.memref_slice %arg2[%mul3A_2, %dma_start3A_15] : memref<2048x1024xf32, #tpu.memory_space<hbm>> -> memref<64x1024xf32, #tpu.memory_space<hbm>>
      tpu.enqueue_dma source(%dma_start3A_16 : memref<64x1024xf32, #tpu.memory_space<hbm>>) target(%arg8 : memref<64x1024xf32, #tpu.memory_space<vmem>>) target_semaphore(%run_scoped3A : memref<!tpu.dma_semaphore, #tpu.memory_space<semaphore_mem>>)
      %dma_wait3A_17 = arith.constant 0 : i32
      %dma_wait3A_18 = tpu.memref_slice %arg2[%mul3A_2, %dma_wait3A_17] : memref<2048x1024xf32, #tpu.memory_space<hbm>> -> memref<64x1024xf32, #tpu.memory_space<hbm>>
      %dma_wait3A_19 = arith.constant 0 : i32
      %dma_wait3A_20 = tpu.memref_slice %arg2[%mul3A_2, %dma_wait3A_19] : memref<2048x1024xf32, #tpu.memory_space<hbm>> -> memref<64x1024xf32, #tpu.memory_space<hbm>>
      tpu.wait_dma2 semaphore(%run_scoped3A : memref<!tpu.dma_semaphore, #tpu.memory_space<semaphore_mem>>) src(%dma_wait3A_20 : memref<64x1024xf32, #tpu.memory_space<hbm>>) dst(%arg8 : memref<64x1024xf32, #tpu.memory_space<vmem>>)
      tpu.yield
    }) : () -> ()
    "tpu.region"() ({
      %run_scoped3A = tpu.sem_alloc : memref<!tpu.dma_semaphore, #tpu.memory_space<semaphore_mem>>
      %dma_start3A_13 = arith.constant 0 : i32
      %dma_start3A_14 = tpu.memref_slice %arg4[%mul3A_2, %dma_start3A_13] : memref<2048x128xf32, #tpu.memory_space<hbm>> -> memref<64x128xf32, #tpu.memory_space<hbm>>
      %dma_start3A_15 = arith.constant 0 : i32
      %dma_start3A_16 = tpu.memref_slice %arg4[%mul3A_2, %dma_start3A_15] : memref<2048x128xf32, #tpu.memory_space<hbm>> -> memref<64x128xf32, #tpu.memory_space<hbm>>
      tpu.enqueue_dma source(%dma_start3A_16 : memref<64x128xf32, #tpu.memory_space<hbm>>) target(%arg9 : memref<64x128xf32, #tpu.memory_space<vmem>>) target_semaphore(%run_scoped3A : memref<!tpu.dma_semaphore, #tpu.memory_space<semaphore_mem>>)
      %dma_wait3A_17 = arith.constant 0 : i32
      %dma_wait3A_18 = tpu.memref_slice %arg4[%mul3A_2, %dma_wait3A_17] : memref<2048x128xf32, #tpu.memory_space<hbm>> -> memref<64x128xf32, #tpu.memory_space<hbm>>
      %dma_wait3A_19 = arith.constant 0 : i32
      %dma_wait3A_20 = tpu.memref_slice %arg4[%mul3A_2, %dma_wait3A_19] : memref<2048x128xf32, #tpu.memory_space<hbm>> -> memref<64x128xf32, #tpu.memory_space<hbm>>
      tpu.wait_dma2 semaphore(%run_scoped3A : memref<!tpu.dma_semaphore, #tpu.memory_space<semaphore_mem>>) src(%dma_wait3A_20 : memref<64x128xf32, #tpu.memory_space<hbm>>) dst(%arg9 : memref<64x128xf32, #tpu.memory_space<vmem>>)
      tpu.yield
    }) : () -> ()
    %dma_start3A = arith.constant 0 : i32
    %dma_start3A_3 = arith.constant 0 : i32
    %dma_start3A_4 = tpu.memref_slice %arg5[%dma_start3A, %dma_start3A_3] : memref<2048x1024xf32, #tpu.memory_space<hbm>> -> memref<2048x1024xf32, #tpu.memory_space<hbm>>
    tpu.enqueue_indirect_dma source(%arg8 : memref<64x1024xf32, #tpu.memory_space<vmem>>) target(%dma_start3A_4 : memref<2048x1024xf32, #tpu.memory_space<hbm>>) offsets(%arg7 : memref<64xi32, #tpu.memory_space<vmem>>) semaphore(%arg10 : memref<!tpu.dma_semaphore, #tpu.memory_space<semaphore_mem>>)
    %dma_start3A_5 = arith.constant 0 : i32
    %dma_start3A_6 = arith.constant 0 : i32
    %dma_start3A_7 = tpu.memref_slice %arg6[%dma_start3A_5, %dma_start3A_6] : memref<2048x128xf32, #tpu.memory_space<hbm>> -> memref<2048x128xf32, #tpu.memory_space<hbm>>
    tpu.enqueue_indirect_dma source(%arg9 : memref<64x128xf32, #tpu.memory_space<vmem>>) target(%dma_start3A_7 : memref<2048x128xf32, #tpu.memory_space<hbm>>) offsets(%arg7 : memref<64xi32, #tpu.memory_space<vmem>>) semaphore(%arg11 : memref<!tpu.dma_semaphore, #tpu.memory_space<semaphore_mem>>)
    %dma_wait3A = arith.constant 0 : i32
    %dma_wait3A_8 = arith.constant 0 : i32
    %dma_wait3A_9 = tpu.memref_slice %arg5[%dma_wait3A, %dma_wait3A_8] : memref<2048x1024xf32, #tpu.memory_space<hbm>> -> memref<2048x1024xf32, #tpu.memory_space<hbm>>
    tpu.wait_indirect_dma semaphore(%arg10 : memref<!tpu.dma_semaphore, #tpu.memory_space<semaphore_mem>>) src(%arg8 : memref<64x1024xf32, #tpu.memory_space<vmem>>) dst(%dma_wait3A_9 : memref<2048x1024xf32, #tpu.memory_space<hbm>>)
    %dma_wait3A_10 = arith.constant 0 : i32
    %dma_wait3A_11 = arith.constant 0 : i32
    %dma_wait3A_12 = tpu.memref_slice %arg6[%dma_wait3A_10, %dma_wait3A_11] : memref<2048x128xf32, #tpu.memory_space<hbm>> -> memref<2048x128xf32, #tpu.memory_space<hbm>>
    tpu.wait_indirect_dma semaphore(%arg11 : memref<!tpu.dma_semaphore, #tpu.memory_space<semaphore_mem>>) src(%arg9 : memref<64x128xf32, #tpu.memory_space<vmem>>) dst(%dma_wait3A_12 : memref<2048x128xf32, #tpu.memory_space<hbm>>)
    return
  }
}

module attributes {stable_mosaic.version = 14 : i64} {
  func.func @_router_body(%arg0: memref<2048x1024xf32, #tpu.memory_space<vmem>>, %arg1: memref<1024x8xf32, #tpu.memory_space<vmem>>, %arg2: memref<1x8xf32, #tpu.memory_space<vmem>>, %arg3: memref<2048x1xi32, #tpu.memory_space<vmem>>, %arg4: memref<2048x128xf32, #tpu.memory_space<vmem>>, %arg5: memref<1x8xi32, #tpu.memory_space<vmem>>, %arg6: memref<1x8xi32, #tpu.memory_space<vmem>>, %arg7: memref<1x16xi32, #tpu.memory_space<vmem>>, %arg8: memref<1x16xi32, #tpu.memory_space<vmem>>, %arg9: memref<1x16xi32, #tpu.memory_space<vmem>>) attributes {dimension_semantics = [], scalar_prefetch = 0 : i64, scratch_operands = 0 : i64, tpu.core_type = #tpu.core_type<tc>} {
    %get3A = arith.constant 0 : index
    %get3A_0 = arith.constant 0 : index
    %get3A_1 = vector.load %arg0[%get3A, %get3A_0] : memref<2048x1024xf32, #tpu.memory_space<vmem>>, vector<2048x1024xf32>
    %get3A_2 = arith.constant 0 : index
    %get3A_3 = arith.constant 0 : index
    %get3A_4 = vector.load %arg1[%get3A_2, %get3A_3] : memref<1024x8xf32, #tpu.memory_space<vmem>>, vector<1024x8xf32>
    %dot_general3A = arith.constant dense<0.000000e+00> : vector<2048x8xf32>
    %dot_general3A_5 = tpu.matmul %get3A_1, %get3A_4, %dot_general3A {dimension_numbers = #tpu.dot_dimension_numbers<[1], [0], [0], [1], [0, 0, 1, 1], [], []>, transpose_lhs_hint = false} : vector<2048x1024xf32>, vector<1024x8xf32>, vector<2048x8xf32> -> vector<2048x8xf32>
    %neg3A = arith.constant 0.000000e+00 : f32
    %neg3A_6 = vector.broadcast %neg3A : f32 to vector<2048x8xf32>
    %neg3A_7 = arith.subf %neg3A_6, %dot_general3A_5 : vector<2048x8xf32>
    %exp3A = math.exp %neg3A_7 : vector<2048x8xf32>
    %add3A = arith.constant 1.000000e+00 : f32
    %add3A_8 = vector.broadcast %add3A : f32 to vector<2048x8xf32>
    %add3A_9 = arith.addf %add3A_8, %exp3A : vector<2048x8xf32>
    %div3A = arith.constant 1.000000e+00 : f32
    %div3A_10 = vector.broadcast %div3A : f32 to vector<2048x8xf32>
    %div3A_11 = arith.divf %div3A_10, %add3A_9 : vector<2048x8xf32>
    %get3A_12 = arith.constant 0 : index
    %get3A_13 = arith.constant 0 : index
    %get3A_14 = vector.load %arg2[%get3A_12, %get3A_13] : memref<1x8xf32, #tpu.memory_space<vmem>>, vector<1x8xf32>
    %add3A_15 = vector.broadcast %get3A_14 : vector<1x8xf32> to vector<2048x8xf32>
    %add3A_16 = arith.addf %div3A_11, %add3A_15 : vector<2048x8xf32>
    %reduce_max3A = arith.constant dense<0xFF800000> : vector<2048xf32>
    %reduce_max3A_17 = vector.multi_reduction <maximumf>, %add3A_16, %reduce_max3A [1] : vector<2048x8xf32> to vector<2048xf32>
    %broadcast_in_dim3A = vector.shape_cast %reduce_max3A_17 : vector<2048xf32> to vector<2048x1xf32>
    %iota3A = tpu.iota {dimensions = array<i32: 1>} : vector<2048x8xi32>
    %eq3A = vector.broadcast %broadcast_in_dim3A : vector<2048x1xf32> to vector<2048x8xf32>
    %eq3A_18 = arith.cmpf oeq, %add3A_16, %eq3A : vector<2048x8xf32>
    %jit3A = arith.constant 8 : i32
    %broadcast_in_dim3A_19 = vector.broadcast %jit3A : i32 to vector<2048x8xi32>
    %select_n3A = arith.select %eq3A_18, %iota3A, %broadcast_in_dim3A_19 : vector<2048x8xi1>, vector<2048x8xi32>
    %reduce_min3A = arith.constant dense<2147483647> : vector<2048xi32>
    %reduce_min3A_20 = vector.multi_reduction <minsi>, %select_n3A, %reduce_min3A [1] : vector<2048x8xi32> to vector<2048xi32>
    %broadcast_in_dim3A_21 = vector.shape_cast %reduce_min3A_20 : vector<2048xi32> to vector<2048x1xi32>
    %eq3A_22 = vector.broadcast %broadcast_in_dim3A_21 : vector<2048x1xi32> to vector<2048x8xi32>
    %eq3A_23 = arith.cmpi eq, %iota3A, %eq3A_22 : vector<2048x8xi32>
    %convert_element_type3A = arith.extui %eq3A_23 : vector<2048x8xi1> to vector<2048x8xi32>
    %convert_element_type3A_24 = arith.sitofp %convert_element_type3A : vector<2048x8xi32> to vector<2048x8xf32>
    %mul3A = arith.mulf %div3A_11, %convert_element_type3A_24 : vector<2048x8xf32>
    %reduce_sum3A = arith.constant dense<0.000000e+00> : vector<2048xf32>
    %reduce_sum3A_25 = vector.multi_reduction <add>, %mul3A, %reduce_sum3A [1] : vector<2048x8xf32> to vector<2048xf32>
    %broadcast_in_dim3A_26 = vector.shape_cast %reduce_sum3A_25 : vector<2048xf32> to vector<2048x1xf32>
    %add3A_27 = arith.constant 9.99999971E-10 : f32
    %add3A_28 = vector.broadcast %add3A_27 : f32 to vector<2048x1xf32>
    %add3A_29 = arith.addf %broadcast_in_dim3A_26, %add3A_28 : vector<2048x1xf32>
    %div3A_30 = arith.divf %broadcast_in_dim3A_26, %add3A_29 : vector<2048x1xf32>
    %broadcast_in_dim3A_31 = vector.shape_cast %div3A_30 : vector<2048x1xf32> to vector<2048x1xf32>
    %broadcast_in_dim3A_32 = vector.broadcast %broadcast_in_dim3A_31 : vector<2048x1xf32> to vector<2048x128xf32>
    %swap3A = arith.constant 0 : index
    %swap3A_33 = arith.constant 0 : index
    %swap3A_34 = vector.load %arg4[%swap3A, %swap3A_33] : memref<2048x128xf32, #tpu.memory_space<vmem>>, vector<2048x128xf32>
    tpu.vector_store %arg4[%swap3A, %swap3A_33], %broadcast_in_dim3A_32 {strides = array<i32>} : memref<2048x128xf32, #tpu.memory_space<vmem>>, vector<2048x128xf32>,
    %iota3A_35 = tpu.iota {dimensions = array<i32: 0>} : vector<2048x2048xi32>
    %iota3A_36 = tpu.iota {dimensions = array<i32: 1>} : vector<2048x2048xi32>
    %lt3A = arith.cmpi slt, %iota3A_36, %iota3A_35 : vector<2048x2048xi32>
    %convert_element_type3A_37 = arith.extui %lt3A : vector<2048x2048xi1> to vector<2048x2048xi32>
    %convert_element_type3A_38 = arith.sitofp %convert_element_type3A_37 : vector<2048x2048xi32> to vector<2048x2048xf32>
    %dot_general3A_39 = arith.constant dense<0.000000e+00> : vector<2048x8xf32>
    %dot_general3A_40 = tpu.matmul %convert_element_type3A_38, %convert_element_type3A_24, %dot_general3A_39 {dimension_numbers = #tpu.dot_dimension_numbers<[1], [0], [0], [1], [0, 0, 1, 1], [], []>, transpose_lhs_hint = false} : vector<2048x2048xf32>, vector<2048x8xf32>, vector<2048x8xf32> -> vector<2048x8xf32>
    %reduce_sum3A_41 = arith.constant dense<0.000000e+00> : vector<8xf32>
    %reduce_sum3A_42 = vector.multi_reduction <add>, %convert_element_type3A_24, %reduce_sum3A_41 [0] : vector<2048x8xf32> to vector<8xf32>
    %broadcast_in_dim3A_43 = vector.shape_cast %reduce_sum3A_42 : vector<8xf32> to vector<1x8xf32>
    %iota3A_44 = tpu.iota {dimensions = array<i32: 0>} : vector<8x8xi32>
    %iota3A_45 = tpu.iota {dimensions = array<i32: 1>} : vector<8x8xi32>
    %lt3A_46 = arith.cmpi slt, %iota3A_44, %iota3A_45 : vector<8x8xi32>
    %convert_element_type3A_47 = arith.extui %lt3A_46 : vector<8x8xi1> to vector<8x8xi32>
    %convert_element_type3A_48 = arith.sitofp %convert_element_type3A_47 : vector<8x8xi32> to vector<8x8xf32>
    %dot_general3A_49 = arith.constant dense<0.000000e+00> : vector<1x8xf32>
    %dot_general3A_50 = tpu.matmul %broadcast_in_dim3A_43, %convert_element_type3A_48, %dot_general3A_49 {dimension_numbers = #tpu.dot_dimension_numbers<[1], [0], [0], [1], [0, 0, 1, 1], [], []>, precision = #tpu.contract_precision<fp32>, transpose_lhs_hint = false} : vector<1x8xf32>, vector<8x8xf32>, vector<1x8xf32> -> vector<1x8xf32>
    %add3A_51 = vector.broadcast %dot_general3A_50 : vector<1x8xf32> to vector<2048x8xf32>
    %add3A_52 = arith.addf %dot_general3A_40, %add3A_51 : vector<2048x8xf32>
    %mul3A_53 = arith.mulf %add3A_52, %convert_element_type3A_24 : vector<2048x8xf32>
    %reduce_sum3A_54 = arith.constant dense<0.000000e+00> : vector<2048xf32>
    %reduce_sum3A_55 = vector.multi_reduction <add>, %mul3A_53, %reduce_sum3A_54 [1] : vector<2048x8xf32> to vector<2048xf32>
    %broadcast_in_dim3A_56 = vector.shape_cast %reduce_sum3A_55 : vector<2048xf32> to vector<2048x1xf32>
    %convert_element_type3A_57 = arith.fptosi %broadcast_in_dim3A_56 : vector<2048x1xf32> to vector<2048x1xi32>
    %swap3A_58 = arith.constant 0 : index
    %swap3A_59 = arith.constant 0 : index
    %swap3A_60 = vector.load %arg3[%swap3A_58, %swap3A_59] : memref<2048x1xi32, #tpu.memory_space<vmem>>, vector<2048x1xi32>
    tpu.vector_store %arg3[%swap3A_58, %swap3A_59], %convert_element_type3A_57 {strides = array<i32>} : memref<2048x1xi32, #tpu.memory_space<vmem>>, vector<2048x1xi32>,
    %convert_element_type3A_61 = arith.fptosi %dot_general3A_50 : vector<1x8xf32> to vector<1x8xi32>
    %swap3A_62 = arith.constant 0 : index
    %swap3A_63 = arith.constant 0 : index
    %swap3A_64 = vector.load %arg5[%swap3A_62, %swap3A_63] : memref<1x8xi32, #tpu.memory_space<vmem>>, vector<1x8xi32>
    tpu.vector_store %arg5[%swap3A_62, %swap3A_63], %convert_element_type3A_61 {strides = array<i32>} : memref<1x8xi32, #tpu.memory_space<vmem>>, vector<1x8xi32>,
    %convert_element_type3A_65 = arith.fptosi %broadcast_in_dim3A_43 : vector<1x8xf32> to vector<1x8xi32>
    %swap3A_66 = arith.constant 0 : index
    %swap3A_67 = arith.constant 0 : index
    %swap3A_68 = vector.load %arg6[%swap3A_66, %swap3A_67] : memref<1x8xi32, #tpu.memory_space<vmem>>, vector<1x8xi32>
    tpu.vector_store %arg6[%swap3A_66, %swap3A_67], %convert_element_type3A_65 {strides = array<i32>} : memref<1x8xi32, #tpu.memory_space<vmem>>, vector<1x8xi32>,
    %iota3A_69 = tpu.iota {dimensions = array<i32: 0>} : vector<32x1xi32>
    %jit3A_70 = arith.constant 4 : i32
    %div3A_71 = vector.broadcast %jit3A_70 : i32 to vector<32x1xi32>
    %div3A_72 = arith.divsi %iota3A_69, %div3A_71 : vector<32x1xi32>
    %sign3A = arith.constant 0 : i32
    %sign3A_73 = vector.broadcast %sign3A : i32 to vector<32x1xi32>
    %sign3A_74 = arith.cmpi sgt, %iota3A_69, %sign3A_73 : vector<32x1xi32>
    %sign3A_75 = arith.extui %sign3A_74 : vector<32x1xi1> to vector<32x1xi32>
    %sign3A_76 = arith.constant 0 : i32
    %sign3A_77 = vector.broadcast %sign3A_76 : i32 to vector<32x1xi32>
    %sign3A_78 = arith.cmpi slt, %iota3A_69, %sign3A_77 : vector<32x1xi32>
    %sign3A_79 = arith.extui %sign3A_78 : vector<32x1xi1> to vector<32x1xi32>
    %sign3A_80 = arith.subi %sign3A_75, %sign3A_79 : vector<32x1xi32>
    %sign3A_81 = arith.constant 0 : i32
    %sign3A_82 = arith.cmpi sgt, %jit3A_70, %sign3A_81 : i32
    %sign3A_83 = arith.extui %sign3A_82 : i1 to i32
    %sign3A_84 = arith.constant 0 : i32
    %sign3A_85 = arith.cmpi slt, %jit3A_70, %sign3A_84 : i32
    %sign3A_86 = arith.extui %sign3A_85 : i1 to i32
    %sign3A_87 = arith.subi %sign3A_83, %sign3A_86 : i32
    %ne3A = vector.broadcast %sign3A_87 : i32 to vector<32x1xi32>
    %ne3A_88 = arith.cmpi ne, %sign3A_80, %ne3A : vector<32x1xi32>
    %rem3A = vector.broadcast %jit3A_70 : i32 to vector<32x1xi32>
    %rem3A_89 = arith.remsi %iota3A_69, %rem3A : vector<32x1xi32>
    %ne3A_90 = arith.constant 0 : i32
    %ne3A_91 = vector.broadcast %ne3A_90 : i32 to vector<32x1xi32>
    %ne3A_92 = arith.cmpi ne, %rem3A_89, %ne3A_91 : vector<32x1xi32>
    %and3A = arith.andi %ne3A_88, %ne3A_92 : vector<32x1xi1>
    %sub3A = arith.constant 1 : i32
    %sub3A_93 = vector.broadcast %sub3A : i32 to vector<32x1xi32>
    %sub3A_94 = arith.subi %div3A_72, %sub3A_93 : vector<32x1xi32>
    %select_n3A_95 = arith.select %and3A, %sub3A_94, %div3A_72 : vector<32x1xi1>, vector<32x1xi32>
    %add3A_96 = arith.constant 7 : i32
    %add3A_97 = vector.broadcast %add3A_96 : i32 to vector<32x1xi32>
    %add3A_98 = arith.addi %select_n3A_95, %add3A_97 : vector<32x1xi32>
    %jit3A_99 = arith.constant 8 : i32
    %eq3A_100 = arith.constant 0 : i32
    %eq3A_101 = arith.cmpi eq, %jit3A_99, %eq3A_100 : i32
    %jit3A_102 = arith.constant 1 : i32
    %select_n3A_103 = arith.select %eq3A_101, %jit3A_102, %jit3A_99 : i32
    %rem3A_104 = vector.broadcast %select_n3A_103 : i32 to vector<32x1xi32>
    %rem3A_105 = arith.remsi %add3A_98, %rem3A_104 : vector<32x1xi32>
    %ne3A_106 = arith.constant 0 : i32
    %ne3A_107 = vector.broadcast %ne3A_106 : i32 to vector<32x1xi32>
    %ne3A_108 = arith.cmpi ne, %rem3A_105, %ne3A_107 : vector<32x1xi32>
    %lt3A_109 = arith.constant 0 : i32
    %lt3A_110 = vector.broadcast %lt3A_109 : i32 to vector<32x1xi32>
    %lt3A_111 = arith.cmpi slt, %rem3A_105, %lt3A_110 : vector<32x1xi32>
    %lt3A_112 = arith.constant 0 : i32
    %lt3A_113 = arith.cmpi slt, %select_n3A_103, %lt3A_112 : i32
    %ne3A_114 = vector.broadcast %lt3A_113 : i1 to vector<32x1xi1>
    %ne3A_115 = vector.broadcast %ne3A_114 : vector<32x1xi1> to vector<32x1xi1>
    %ne3A_116 = arith.xori %lt3A_111, %ne3A_115 : vector<32x1xi1>
    %and3A_117 = arith.andi %ne3A_116, %ne3A_108 : vector<32x1xi1>
    %add3A_118 = vector.broadcast %select_n3A_103 : i32 to vector<32x1xi32>
    %add3A_119 = arith.addi %rem3A_105, %add3A_118 : vector<32x1xi32>
    %select_n3A_120 = arith.select %and3A_117, %add3A_119, %rem3A_105 : vector<32x1xi1>, vector<32x1xi32>
    %iota3A_121 = tpu.iota {dimensions = array<i32: 0>} : vector<32x1xi32>
    %jit3A_122 = arith.constant 4 : i32
    %eq3A_123 = arith.constant 0 : i32
    %eq3A_124 = arith.cmpi eq, %jit3A_122, %eq3A_123 : i32
    %jit3A_125 = arith.constant 1 : i32
    %select_n3A_126 = arith.select %eq3A_124, %jit3A_125, %jit3A_122 : i32
    %rem3A_127 = vector.broadcast %select_n3A_126 : i32 to vector<32x1xi32>
    %rem3A_128 = arith.remsi %iota3A_121, %rem3A_127 : vector<32x1xi32>
    %ne3A_129 = arith.constant 0 : i32
    %ne3A_130 = vector.broadcast %ne3A_129 : i32 to vector<32x1xi32>
    %ne3A_131 = arith.cmpi ne, %rem3A_128, %ne3A_130 : vector<32x1xi32>
    %lt3A_132 = arith.constant 0 : i32
    %lt3A_133 = vector.broadcast %lt3A_132 : i32 to vector<32x1xi32>
    %lt3A_134 = arith.cmpi slt, %rem3A_128, %lt3A_133 : vector<32x1xi32>
    %lt3A_135 = arith.constant 0 : i32
    %lt3A_136 = arith.cmpi slt, %select_n3A_126, %lt3A_135 : i32
    %ne3A_137 = vector.broadcast %lt3A_136 : i1 to vector<32x1xi1>
    %ne3A_138 = vector.broadcast %ne3A_137 : vector<32x1xi1> to vector<32x1xi1>
    %ne3A_139 = arith.xori %lt3A_134, %ne3A_138 : vector<32x1xi1>
    %and3A_140 = arith.andi %ne3A_139, %ne3A_131 : vector<32x1xi1>
    %add3A_141 = vector.broadcast %select_n3A_126 : i32 to vector<32x1xi32>
    %add3A_142 = arith.addi %rem3A_128, %add3A_141 : vector<32x1xi32>
    %select_n3A_143 = arith.select %and3A_140, %add3A_142, %rem3A_128 : vector<32x1xi1>, vector<32x1xi32>
    %iota3A_144 = tpu.iota {dimensions = array<i32: 1>} : vector<32x8xi32>
    %eq3A_145 = vector.broadcast %select_n3A_120 : vector<32x1xi32> to vector<32x8xi32>
    %eq3A_146 = arith.cmpi eq, %iota3A_144, %eq3A_145 : vector<32x8xi32>
    %convert_element_type3A_147 = arith.extui %eq3A_146 : vector<32x8xi1> to vector<32x8xi32>
    %convert_element_type3A_148 = arith.sitofp %convert_element_type3A_147 : vector<32x8xi32> to vector<32x8xf32>
    %mul3A_149 = vector.broadcast %dot_general3A_50 : vector<1x8xf32> to vector<32x8xf32>
    %mul3A_150 = arith.mulf %mul3A_149, %convert_element_type3A_148 : vector<32x8xf32>
    %reduce_sum3A_151 = arith.constant dense<0.000000e+00> : vector<32xf32>
    %reduce_sum3A_152 = vector.multi_reduction <add>, %mul3A_150, %reduce_sum3A_151 [1] : vector<32x8xf32> to vector<32xf32>
    %broadcast_in_dim3A_153 = vector.shape_cast %reduce_sum3A_152 : vector<32xf32> to vector<32x1xf32>
    %mul3A_154 = vector.broadcast %broadcast_in_dim3A_43 : vector<1x8xf32> to vector<32x8xf32>
    %mul3A_155 = arith.mulf %mul3A_154, %convert_element_type3A_148 : vector<32x8xf32>
    %reduce_sum3A_156 = arith.constant dense<0.000000e+00> : vector<32xf32>
    %reduce_sum3A_157 = vector.multi_reduction <add>, %mul3A_155, %reduce_sum3A_156 [1] : vector<32x8xf32> to vector<32xf32>
    %broadcast_in_dim3A_158 = vector.shape_cast %reduce_sum3A_157 : vector<32xf32> to vector<32x1xf32>
    %mul3A_159 = arith.constant 512 : i32
    %mul3A_160 = vector.broadcast %mul3A_159 : i32 to vector<32x1xi32>
    %mul3A_161 = arith.muli %select_n3A_143, %mul3A_160 : vector<32x1xi32>
    %convert_element_type3A_162 = arith.sitofp %mul3A_161 : vector<32x1xi32> to vector<32x1xf32>
    %ge3A = arith.constant 7 : i32
    %ge3A_163 = vector.broadcast %ge3A : i32 to vector<32x1xi32>
    %ge3A_164 = arith.cmpi sge, %select_n3A_120, %ge3A_163 : vector<32x1xi32>
    %gt3A = arith.constant 0.000000e+00 : f32
    %gt3A_165 = vector.broadcast %gt3A : f32 to vector<32x1xf32>
    %gt3A_166 = arith.cmpf ogt, %broadcast_in_dim3A_158, %gt3A_165 : vector<32x1xf32>
    %add3A_167 = arith.constant 5.120000e+02 : f32
    %add3A_168 = vector.broadcast %add3A_167 : f32 to vector<32x1xf32>
    %add3A_169 = arith.addf %convert_element_type3A_162, %add3A_168 : vector<32x1xf32>
    %lt3A_170 = arith.cmpf olt, %broadcast_in_dim3A_153, %add3A_169 : vector<32x1xf32>
    %and3A_171 = arith.andi %gt3A_166, %lt3A_170 : vector<32x1xi1>
    %add3A_172 = arith.addf %broadcast_in_dim3A_153, %broadcast_in_dim3A_158 : vector<32x1xf32>
    %gt3A_173 = arith.cmpf ogt, %add3A_172, %convert_element_type3A_162 : vector<32x1xf32>
    %and3A_174 = arith.andi %and3A_171, %gt3A_173 : vector<32x1xi1>
    %or3A = arith.ori %ge3A_164, %and3A_174 : vector<32x1xi1>
    %convert_element_type3A_175 = arith.extui %or3A : vector<32x1xi1> to vector<32x1xi32>
    %convert_element_type3A_176 = arith.sitofp %convert_element_type3A_175 : vector<32x1xi32> to vector<32x1xf32>
    %iota3A_177 = tpu.iota {dimensions = array<i32: 1>} : vector<32x32xi32>
    %iota3A_178 = tpu.iota {dimensions = array<i32: 0>} : vector<32x32xi32>
    %lt3A_179 = arith.cmpi slt, %iota3A_177, %iota3A_178 : vector<32x32xi32>
    %convert_element_type3A_180 = arith.extui %lt3A_179 : vector<32x32xi1> to vector<32x32xi32>
    %convert_element_type3A_181 = arith.sitofp %convert_element_type3A_180 : vector<32x32xi32> to vector<32x32xf32>
    %dot_general3A_182 = arith.constant dense<0.000000e+00> : vector<32x1xf32>
    %dot_general3A_183 = tpu.matmul %convert_element_type3A_181, %convert_element_type3A_176, %dot_general3A_182 {dimension_numbers = #tpu.dot_dimension_numbers<[1], [0], [0], [1], [0, 0, 1, 1], [], []>, transpose_lhs_hint = false} : vector<32x32xf32>, vector<32x1xf32>, vector<32x1xf32> -> vector<32x1xf32>
    %iota3A_184 = tpu.iota {dimensions = array<i32: 1>} : vector<32x16xi32>
    %convert_element_type3A_185 = arith.sitofp %iota3A_184 : vector<32x16xi32> to vector<32x16xf32>
    %eq3A_186 = vector.broadcast %dot_general3A_183 : vector<32x1xf32> to vector<32x16xf32>
    %eq3A_187 = arith.cmpf oeq, %eq3A_186, %convert_element_type3A_185 : vector<32x16xf32>
    %convert_element_type3A_188 = arith.extui %eq3A_187 : vector<32x16xi1> to vector<32x16xi32>
    %convert_element_type3A_189 = arith.sitofp %convert_element_type3A_188 : vector<32x16xi32> to vector<32x16xf32>
    %mul3A_190 = vector.broadcast %convert_element_type3A_176 : vector<32x1xf32> to vector<32x16xf32>
    %mul3A_191 = arith.mulf %mul3A_190, %convert_element_type3A_189 : vector<32x16xf32>
    %reduce_sum3A_192 = arith.constant dense<0.000000e+00> : vector<16xf32>
    %reduce_sum3A_193 = vector.multi_reduction <add>, %mul3A_191, %reduce_sum3A_192 [0] : vector<32x16xf32> to vector<16xf32>
    %broadcast_in_dim3A_194 = vector.shape_cast %reduce_sum3A_193 : vector<16xf32> to vector<1x16xf32>
    %convert_element_type3A_195 = arith.sitofp %select_n3A_120 : vector<32x1xi32> to vector<32x1xf32>
    %mul3A_196 = vector.broadcast %convert_element_type3A_195 : vector<32x1xf32> to vector<32x16xf32>
    %mul3A_197 = arith.mulf %mul3A_196, %mul3A_191 : vector<32x16xf32>
    %reduce_sum3A_198 = arith.constant dense<0.000000e+00> : vector<16xf32>
    %reduce_sum3A_199 = vector.multi_reduction <add>, %mul3A_197, %reduce_sum3A_198 [0] : vector<32x16xf32> to vector<16xf32>
    %broadcast_in_dim3A_200 = vector.shape_cast %reduce_sum3A_199 : vector<16xf32> to vector<1x16xf32>
    %convert_element_type3A_201 = arith.sitofp %select_n3A_143 : vector<32x1xi32> to vector<32x1xf32>
    %mul3A_202 = vector.broadcast %convert_element_type3A_201 : vector<32x1xf32> to vector<32x16xf32>
    %mul3A_203 = arith.mulf %mul3A_202, %mul3A_191 : vector<32x16xf32>
    %reduce_sum3A_204 = arith.constant dense<0.000000e+00> : vector<16xf32>
    %reduce_sum3A_205 = vector.multi_reduction <add>, %mul3A_203, %reduce_sum3A_204 [0] : vector<32x16xf32> to vector<16xf32>
    %broadcast_in_dim3A_206 = vector.shape_cast %reduce_sum3A_205 : vector<16xf32> to vector<1x16xf32>
    %gt3A_207 = arith.constant 0.000000e+00 : f32
    %gt3A_208 = vector.broadcast %gt3A_207 : f32 to vector<1x16xf32>
    %gt3A_209 = arith.cmpf ogt, %broadcast_in_dim3A_194, %gt3A_208 : vector<1x16xf32>
    %jit3A_210 = arith.constant 7.000000e+00 : f32
    %broadcast_in_dim3A_211 = vector.broadcast %jit3A_210 : f32 to vector<1x16xf32>
    %select_n3A_212 = arith.select %gt3A_209, %broadcast_in_dim3A_200, %broadcast_in_dim3A_211 : vector<1x16xi1>, vector<1x16xf32>
    %gt3A_213 = arith.constant 0.000000e+00 : f32
    %gt3A_214 = vector.broadcast %gt3A_213 : f32 to vector<1x16xf32>
    %gt3A_215 = arith.cmpf ogt, %broadcast_in_dim3A_194, %gt3A_214 : vector<1x16xf32>
    %jit3A_216 = arith.constant 3.000000e+00 : f32
    %broadcast_in_dim3A_217 = vector.broadcast %jit3A_216 : f32 to vector<1x16xf32>
    %select_n3A_218 = arith.select %gt3A_215, %broadcast_in_dim3A_206, %broadcast_in_dim3A_217 : vector<1x16xi1>, vector<1x16xf32>
    %convert_element_type3A_219 = arith.fptosi %select_n3A_212 : vector<1x16xf32> to vector<1x16xi32>
    %swap3A_220 = arith.constant 0 : index
    %swap3A_221 = arith.constant 0 : index
    %swap3A_222 = vector.load %arg7[%swap3A_220, %swap3A_221] : memref<1x16xi32, #tpu.memory_space<vmem>>, vector<1x16xi32>
    tpu.vector_store %arg7[%swap3A_220, %swap3A_221], %convert_element_type3A_219 {strides = array<i32>} : memref<1x16xi32, #tpu.memory_space<vmem>>, vector<1x16xi32>,
    %convert_element_type3A_223 = arith.fptosi %select_n3A_218 : vector<1x16xf32> to vector<1x16xi32>
    %swap3A_224 = arith.constant 0 : index
    %swap3A_225 = arith.constant 0 : index
    %swap3A_226 = vector.load %arg8[%swap3A_224, %swap3A_225] : memref<1x16xi32, #tpu.memory_space<vmem>>, vector<1x16xi32>
    tpu.vector_store %arg8[%swap3A_224, %swap3A_225], %convert_element_type3A_223 {strides = array<i32>} : memref<1x16xi32, #tpu.memory_space<vmem>>, vector<1x16xi32>,
    %convert_element_type3A_227 = arith.fptosi %broadcast_in_dim3A_194 : vector<1x16xf32> to vector<1x16xi32>
    %swap3A_228 = arith.constant 0 : index
    %swap3A_229 = arith.constant 0 : index
    %swap3A_230 = vector.load %arg9[%swap3A_228, %swap3A_229] : memref<1x16xi32, #tpu.memory_space<vmem>>, vector<1x16xi32>
    tpu.vector_store %arg9[%swap3A_228, %swap3A_229], %convert_element_type3A_227 {strides = array<i32>} : memref<1x16xi32, #tpu.memory_space<vmem>>, vector<1x16xi32>,
    return
  }
}

module attributes {stable_mosaic.version = 14 : i64} {
  func.func @_mlp_body(%arg0: i32, %arg1: memref<8xi32, #tpu.memory_space<smem>>, %arg2: memref<8xi32, #tpu.memory_space<smem>>, %arg3: memref<16xi32, #tpu.memory_space<smem>>, %arg4: memref<16xi32, #tpu.memory_space<smem>>, %arg5: memref<16xi32, #tpu.memory_space<smem>>, %arg6: memref<512x1024xf32, #tpu.memory_space<vmem>>, %arg7: memref<512x128xf32, #tpu.memory_space<vmem>>, %arg8: memref<1x1024x2048xf32, #tpu.memory_space<vmem>>, %arg9: memref<1x1024x1024xf32, #tpu.memory_space<vmem>>, %arg10: memref<2048x1024xf32, #tpu.memory_space<vmem>>) attributes {dimension_semantics = [#tpu.dimension_semantics<arbitrary>], iteration_bounds = array<i64: 16>, scalar_prefetch = 5 : i64, scratch_operands = 0 : i64, tpu.core_type = #tpu.core_type<tc>, window_params = [{transform_indices = @transform_0, window_bounds = array<i64: 512, 1024>}, {transform_indices = @transform_1, window_bounds = array<i64: 512, 128>}, {transform_indices = @transform_2, window_bounds = array<i64: 1, 1024, 2048>}, {transform_indices = @transform_3, window_bounds = array<i64: 1, 1024, 1024>}, {pipeline_mode = #tpu.pipeline_mode<synchronous>, transform_indices = @transform_4, window_bounds = array<i64: 2048, 1024>}]} {
    %get3A = arith.index_cast %arg0 : i32 to index
    %get3A_0 = memref.load %arg3[%get3A] : memref<16xi32, #tpu.memory_space<smem>>
    %get3A_1 = arith.index_cast %arg0 : i32 to index
    %get3A_2 = memref.load %arg4[%get3A_1] : memref<16xi32, #tpu.memory_space<smem>>
    %mul3A = arith.constant 512 : i32
    %mul3A_3 = arith.muli %get3A_2, %mul3A : i32
    %get3A_4 = arith.index_cast %get3A_0 : i32 to index
    %get3A_5 = memref.load %arg1[%get3A_4] : memref<8xi32, #tpu.memory_space<smem>>
    %get3A_6 = arith.index_cast %get3A_0 : i32 to index
    %get3A_7 = memref.load %arg2[%get3A_6] : memref<8xi32, #tpu.memory_space<smem>>
    %add3A = arith.addi %get3A_5, %get3A_7 : i32
    %ge3A = arith.constant 7 : i32
    %ge3A_8 = arith.cmpi sge, %get3A_0, %ge3A : i32
    %get3A_9 = arith.constant 0 : index
    %get3A_10 = arith.constant 0 : index
    %get3A_11 = vector.load %arg6[%get3A_9, %get3A_10] : memref<512x1024xf32, #tpu.memory_space<vmem>>, vector<512x1024xf32>
    %get3A_12 = arith.constant 0 : index
    %get3A_13 = arith.constant 0 : index
    %get3A_14 = arith.constant 0 : index
    %get3A_15 = vector.load %arg8[%get3A_12, %get3A_13, %get3A_14] : memref<1x1024x2048xf32, #tpu.memory_space<vmem>>, vector<1x1024x2048xf32>
    %get3A_16 = vector.shape_cast %get3A_15 : vector<1x1024x2048xf32> to vector<1024x2048xf32>
    %dot_general3A = arith.constant dense<0.000000e+00> : vector<512x2048xf32>
    %dot_general3A_17 = tpu.matmul %get3A_11, %get3A_16, %dot_general3A {dimension_numbers = #tpu.dot_dimension_numbers<[1], [0], [0], [1], [0, 0, 1, 1], [], []>, transpose_lhs_hint = false} : vector<512x1024xf32>, vector<1024x2048xf32>, vector<512x2048xf32> -> vector<512x2048xf32>
    %slice3A = vector.extract_strided_slice %dot_general3A_17 {offsets = [0, 0], sizes = [512, 1024], strides = [1, 1]} : vector<512x2048xf32> to vector<512x1024xf32>
    %slice3A_18 = vector.extract_strided_slice %dot_general3A_17 {offsets = [0, 1024], sizes = [512, 1024], strides = [1, 1]} : vector<512x2048xf32> to vector<512x1024xf32>
    %neg3A = arith.constant 0.000000e+00 : f32
    %neg3A_19 = vector.broadcast %neg3A : f32 to vector<512x1024xf32>
    %neg3A_20 = arith.subf %neg3A_19, %slice3A : vector<512x1024xf32>
    %exp3A = math.exp %neg3A_20 : vector<512x1024xf32>
    %add3A_21 = arith.constant 1.000000e+00 : f32
    %add3A_22 = vector.broadcast %add3A_21 : f32 to vector<512x1024xf32>
    %add3A_23 = arith.addf %add3A_22, %exp3A : vector<512x1024xf32>
    %div3A = arith.constant 1.000000e+00 : f32
    %div3A_24 = vector.broadcast %div3A : f32 to vector<512x1024xf32>
    %div3A_25 = arith.divf %div3A_24, %add3A_23 : vector<512x1024xf32>
    %mul3A_26 = arith.mulf %slice3A, %div3A_25 : vector<512x1024xf32>
    %mul3A_27 = arith.mulf %mul3A_26, %slice3A_18 : vector<512x1024xf32>
    %get3A_28 = arith.constant 0 : index
    %get3A_29 = arith.constant 0 : index
    %get3A_30 = arith.constant 0 : index
    %get3A_31 = vector.load %arg9[%get3A_28, %get3A_29, %get3A_30] : memref<1x1024x1024xf32, #tpu.memory_space<vmem>>, vector<1x1024x1024xf32>
    %get3A_32 = vector.shape_cast %get3A_31 : vector<1x1024x1024xf32> to vector<1024x1024xf32>
    %dot_general3A_33 = arith.constant dense<0.000000e+00> : vector<512x1024xf32>
    %dot_general3A_34 = tpu.matmul %mul3A_27, %get3A_32, %dot_general3A_33 {dimension_numbers = #tpu.dot_dimension_numbers<[1], [0], [0], [1], [0, 0, 1, 1], [], []>, transpose_lhs_hint = false} : vector<512x1024xf32>, vector<1024x1024xf32>, vector<512x1024xf32> -> vector<512x1024xf32>
    %iota3A = tpu.iota {dimensions = array<i32: 0>} : vector<512x1xi32>
    %add3A_35 = vector.broadcast %mul3A_3 : i32 to vector<512x1xi32>
    %add3A_36 = arith.addi %add3A_35, %iota3A : vector<512x1xi32>
    %ge3A_37 = vector.broadcast %get3A_5 : i32 to vector<512x1xi32>
    %ge3A_38 = arith.cmpi sge, %add3A_36, %ge3A_37 : vector<512x1xi32>
    %lt3A = vector.broadcast %add3A : i32 to vector<512x1xi32>
    %lt3A_39 = arith.cmpi slt, %add3A_36, %lt3A : vector<512x1xi32>
    %and3A = arith.andi %ge3A_38, %lt3A_39 : vector<512x1xi1>
    %convert_element_type3A = arith.extui %and3A : vector<512x1xi1> to vector<512x1xi32>
    %convert_element_type3A_40 = arith.sitofp %convert_element_type3A : vector<512x1xi32> to vector<512x1xf32>
    %get3A_41 = arith.constant 0 : index
    %get3A_42 = arith.constant 0 : index
    %get3A_43 = vector.load %arg7[%get3A_41, %get3A_42] : memref<512x128xf32, #tpu.memory_space<vmem>>, vector<512x1xf32>
    %broadcast_in_dim3A = arith.constant 1.000000e+00 : f32
    %broadcast_in_dim3A_44 = vector.broadcast %broadcast_in_dim3A : f32 to vector<512x1xf32>
    %mul3A_45 = arith.mulf %get3A_43, %convert_element_type3A_40 : vector<512x1xf32>
    %select_n3A = arith.select %ge3A_8, %broadcast_in_dim3A_44, %mul3A_45 : vector<512x1xf32>
    %get3A_46 = arith.index_cast %arg0 : i32 to index
    %get3A_47 = memref.load %arg5[%get3A_46] : memref<16xi32, #tpu.memory_space<smem>>
    %convert_element_type3A_48 = arith.sitofp %get3A_47 : i32 to f32
    %mul3A_49 = vector.broadcast %convert_element_type3A_48 : f32 to vector<512x1xf32>
    %mul3A_50 = arith.mulf %select_n3A, %mul3A_49 : vector<512x1xf32>
    %lt3A_51 = arith.constant 4 : i32
    %lt3A_52 = arith.cmpi slt, %arg0, %lt3A_51 : i32
    %convert_element_type3A_53 = arith.extui %lt3A_52 : i1 to i32
    %cond3A = arith.constant 0 : i32
    %cond3A_54 = arith.cmpi ne, %convert_element_type3A_53, %cond3A : i32
    scf.if %cond3A_54 {
      %mul3A_60 = vector.broadcast %mul3A_50 : vector<512x1xf32> to vector<512x1024xf32>
      %mul3A_61 = arith.mulf %dot_general3A_34, %mul3A_60 : vector<512x1024xf32>
      %swap3A = arith.index_cast %mul3A_3 : i32 to index
      %swap3A_62 = arith.constant 0 : index
      %swap3A_63 = vector.load %arg10[%swap3A, %swap3A_62] : memref<2048x1024xf32, #tpu.memory_space<vmem>>, vector<512x1024xf32>
      tpu.vector_store %arg10[%swap3A, %swap3A_62], %mul3A_61 {strides = array<i32>} : memref<2048x1024xf32, #tpu.memory_space<vmem>>, vector<512x1024xf32>,
    } else {
    }
    %ge3A_55 = arith.constant 4 : i32
    %ge3A_56 = arith.cmpi sge, %arg0, %ge3A_55 : i32
    %convert_element_type3A_57 = arith.extui %ge3A_56 : i1 to i32
    %cond3A_58 = arith.constant 0 : i32
    %cond3A_59 = arith.cmpi ne, %convert_element_type3A_57, %cond3A_58 : i32
    scf.if %cond3A_59 {
      %get3A_60 = arith.index_cast %mul3A_3 : i32 to index
      %get3A_61 = arith.constant 0 : index
      %get3A_62 = vector.load %arg10[%get3A_60, %get3A_61] : memref<2048x1024xf32, #tpu.memory_space<vmem>>, vector<512x1024xf32>
      %mul3A_63 = vector.broadcast %mul3A_50 : vector<512x1xf32> to vector<512x1024xf32>
      %mul3A_64 = arith.mulf %dot_general3A_34, %mul3A_63 : vector<512x1024xf32>
      %add3A_65 = arith.addf %get3A_62, %mul3A_64 : vector<512x1024xf32>
      %swap3A = arith.index_cast %mul3A_3 : i32 to index
      %swap3A_66 = arith.constant 0 : index
      %swap3A_67 = vector.load %arg10[%swap3A, %swap3A_66] : memref<2048x1024xf32, #tpu.memory_space<vmem>>, vector<512x1024xf32>
      tpu.vector_store %arg10[%swap3A, %swap3A_66], %add3A_65 {strides = array<i32>} : memref<2048x1024xf32, #tpu.memory_space<vmem>>, vector<512x1024xf32>,
    } else {
    }
    return
  }
  func.func @transform_0(%arg0: i32, %arg1: memref<8xi32, #tpu.memory_space<smem>>, %arg2: memref<8xi32, #tpu.memory_space<smem>>, %arg3: memref<16xi32, #tpu.memory_space<smem>>, %arg4: memref<16xi32, #tpu.memory_space<smem>>, %arg5: memref<16xi32, #tpu.memory_space<smem>>) -> (i32, i32) {
    %get3A = arith.index_cast %arg0 : i32 to index
    %get3A_0 = memref.load %arg4[%get3A] : memref<16xi32, #tpu.memory_space<smem>>
    %c0_i32 = arith.constant 0 : i32
    %c0_i32_1 = arith.constant 0 : i32
    return %get3A_0, %c0_i32 : i32, i32
  }
  func.func @transform_1(%arg0: i32, %arg1: memref<8xi32, #tpu.memory_space<smem>>, %arg2: memref<8xi32, #tpu.memory_space<smem>>, %arg3: memref<16xi32, #tpu.memory_space<smem>>, %arg4: memref<16xi32, #tpu.memory_space<smem>>, %arg5: memref<16xi32, #tpu.memory_space<smem>>) -> (i32, i32) {
    %get3A = arith.index_cast %arg0 : i32 to index
    %get3A_0 = memref.load %arg4[%get3A] : memref<16xi32, #tpu.memory_space<smem>>
    %c0_i32 = arith.constant 0 : i32
    %c0_i32_1 = arith.constant 0 : i32
    return %get3A_0, %c0_i32 : i32, i32
  }
  func.func @transform_2(%arg0: i32, %arg1: memref<8xi32, #tpu.memory_space<smem>>, %arg2: memref<8xi32, #tpu.memory_space<smem>>, %arg3: memref<16xi32, #tpu.memory_space<smem>>, %arg4: memref<16xi32, #tpu.memory_space<smem>>, %arg5: memref<16xi32, #tpu.memory_space<smem>>) -> (i32, i32, i32) {
    %get3A = arith.index_cast %arg0 : i32 to index
    %get3A_0 = memref.load %arg3[%get3A] : memref<16xi32, #tpu.memory_space<smem>>
    %c0_i32 = arith.constant 0 : i32
    %c0_i32_1 = arith.constant 0 : i32
    %c0_i32_2 = arith.constant 0 : i32
    return %get3A_0, %c0_i32, %c0_i32_1 : i32, i32, i32
  }
  func.func @transform_3(%arg0: i32, %arg1: memref<8xi32, #tpu.memory_space<smem>>, %arg2: memref<8xi32, #tpu.memory_space<smem>>, %arg3: memref<16xi32, #tpu.memory_space<smem>>, %arg4: memref<16xi32, #tpu.memory_space<smem>>, %arg5: memref<16xi32, #tpu.memory_space<smem>>) -> (i32, i32, i32) {
    %get3A = arith.index_cast %arg0 : i32 to index
    %get3A_0 = memref.load %arg3[%get3A] : memref<16xi32, #tpu.memory_space<smem>>
    %c0_i32 = arith.constant 0 : i32
    %c0_i32_1 = arith.constant 0 : i32
    %c0_i32_2 = arith.constant 0 : i32
    return %get3A_0, %c0_i32, %c0_i32_1 : i32, i32, i32
  }
  func.func @transform_4(%arg0: i32, %arg1: memref<8xi32, #tpu.memory_space<smem>>, %arg2: memref<8xi32, #tpu.memory_space<smem>>, %arg3: memref<16xi32, #tpu.memory_space<smem>>, %arg4: memref<16xi32, #tpu.memory_space<smem>>, %arg5: memref<16xi32, #tpu.memory_space<smem>>) -> (i32, i32) {
    %c0_i32 = arith.constant 0 : i32
    %c0_i32_0 = arith.constant 0 : i32
    %c0_i32_1 = arith.constant 0 : i32
    return %c0_i32, %c0_i32_0 : i32, i32
  }
}

</mosaic_0001>

<sc_bundles>
// kernel: kernel.6.cloned.1.call-start
scs
__scs_entry_jumppad:
0x0: {  	(pc) =	sbr.rel $0x88, $3  }
0x1: {  	(tag) =	ssettag $0x0;
	lr =	simm.s32 $0x1  }
0x2: {  	[smem:$0x3F9C] =	sst lr;
	_ =	strace $0xD0000000  }
0x3: {  	_ = 	snop  }
0x4: {  	_ = 	snop  }
0x5: {  	_ = 	snop  }
0x6: {  	_ = 	snop  }
0x7: {  	_ = 	snop  }
__scs_overlays_trampoline_lowered:
0x8: {  	[smem:$0x3FAB] =	sst s0  }
0x9: {  	[smem:$0x3FAC] =	sst s1  }
0xa: {  	[smem:$0x3FAD] =	sst s2  }
0xb: {  	[smem:$0x3FAE] =	sst s3  }
0xc: {  	[smem:$0x3FAF] =	sst s4  }
0xd: {  	[smem:$0x3FB0] =	sst s5  }
0xe: {  	[smem:$0x3FB1] =	sst s6  }
0xf: {  	[smem:$0x3FB2] =	sst s7  }
0x10: {  	[smem:$0x3FB3] =	sst s8  }
0x11: {  	[smem:$0x3FB4] =	sst s9;
	s0 =	simm.s32 @!p0 $0x0  }
0x12: {  	s1 =	sld [smem:$0x3F9A];
	s0 =	simm.s32 @p0 $0x1  }
0x13: {  	[smem:$0x3FB5] =	sst s0;
	s0 =	simm.s32 @!p1 $0x0  }
0x14: {  	s2 =	sld [smem:$0x3F99];
	s0 =	simm.s32 @p1 $0x1  }
0x15: {  	[smem:$0x3FB6] =	sst s0;
	s0 =	simm.s32 @!p2 $0x0  }
0x16: {  	s3 =	sld [smem:$0x3FDB];
	s0 =	simm.s32 @p2 $0x1  }
0x17: {  	s4 =	simm.s32 $0x1BF5;
	[smem:$0x3FB8] =	sst s0  }
0x18: {  	s0 =	sld [smem:$0x3F9B];
	_ =	swait.ge [sflag:s4], $0x0  }
0x19: {  	s7 =	sld [smem:$0x3F9C]  }
0x1a: {  	s8 =	sadd.s32 $0xFFFFE003, lr  }
0x1b: {  	s9 =	sadd.s32 $0xFFFFFEF7, lr;
	s5 =	simm.s32 $0xFFFFFFFF;
	p2 =	slt.u32 s8, $0xFFFFF086  }
0x1c: {  	p1 =	slt.u32 s9, $0xF7A;
	s5 =	simm.s32 @!p2 $0x0  }
0x1d: {  	s5 =	simm.s32 @p1 $0x1;
	p0 =	seq.s32 s7, s2  }
0x1e: {  	s7 =	smul.u32 @!p0 $0xF7A, s2;
	p2 =	seq.s32 @!p0 s5, $0x0  }
0x1f: {  	s9 =	smul.u32 $0xF7A, s1;
	s8 =	simm.s32 @!p0 $0x1BF5;
	p2 =	por !p2, p0  }
0x20: {  	[sflag:s8] =	ssyncset.s32 @!p0 $0xFFFFF086;
	s6 =	sadd.s32 @!p0 s3, s7;
	s7 =	simm.s32 @!p0 $0x108  }
0x21: {  	s3 =	sadd.s32 s3, s9;
	s6 =	sadd.s32 @!p0 $0x88, s6;
	s7 =	simm.s32 @p2 $0x1082  }
0x22: {  	[simem:s7], [sflag:s8] =	dma.local @!p0 [hbm:s6], $0xF7A  }
0x23: {  	s9 =	sor.u32 $0xD0000000, s2;
	s6 =	simm.s32 $0x108;
	_ =	swait.ge @!p0 [sflag:s8], $0x0  }
0x24: {  	s3 =	sadd.s32 $0x88, s3;
	s6 =	simm.s32 @!p1 $0x1082;
	[sflag:s4] =	ssyncset.s32 $0xFFFFF086  }
0x25: {  	[simem:s6], [sflag:s4] =	dma.local [hbm:s3], $0xF7A  }
0x26: {  	[smem:$0x3F9C] =	sst s1;
	(tag) =	ssettag s2;
	_ =	strace s9  }
0x27: {  	s1 =	sld [smem:$0x3FAC]  }
0x28: {  	s2 =	sld [smem:$0x3FAD]  }
0x29: {  	s4 =	sld [smem:$0x3FAF]  }
0x2a: {  	p0 =	seq.s32 s5, $0x0;
	s5 =	sld [smem:$0x3FB0]  }
0x2b: {  	s6 =	sld [smem:$0x3FB1]  }
0x2c: {  	s7 =	sld [smem:$0x3FB2]  }
0x2d: {  	s3 =	simm.s32 $0x108;
	s8 =	sld [smem:$0x3FB3]  }
0x2e: {  	s3 =	simm.s32 @!p0 $0x1082;
	s9 =	sld [smem:$0x3FB4]  }
0x2f: {  	lr =	sadd.s32 s0, s3;
	s0 =	sld [smem:$0x3FAB]  }
0x30: {  	s3 =	sld [smem:$0x3FAE]  }
0x31: {  	[smem:$0x3FB7] =	sst s10  }
0x32: {  	s10 =	sld [smem:$0x3FB5];
	_ =	sdelay $0x3  }
0x33: {  	p0 =	seq.s32 s10, $0x1;
	s10 =	sld [smem:$0x3FB7];
	_ =	sdelay $0x3  }
0x34: {  	[smem:$0x3FB7] =	sst s10  }
0x35: {  	s10 =	sld [smem:$0x3FB6];
	_ =	sdelay $0x3  }
0x36: {  	p1 =	seq.s32 s10, $0x1;
	s10 =	sld [smem:$0x3FB7];
	_ =	sdelay $0x3  }
0x37: {  	[smem:$0x3FB7] =	sst s10  }
0x38: {  	s10 =	sld [smem:$0x3FB8]  }
0x39: {  	_ = 	snop;
	(pc) =	sbr.ind lr, $3  }
0x3a: {  	_ = 	snop  }
0x3b: {  	_ = 	snop  }
0x3c: {  	p2 =	seq.s32 s10, $0x1;
	s10 =	sld [smem:$0x3FB7]  }
0x3d: {  	_ =	shalt  }
0x3e: {  	_ =	shalt  }
0x3f: {  	_ =	shalt  }
0x40: {  	_ =	shalt  }
0x41: {  	_ =	shalt  }
0x42: {  	_ =	shalt  }
0x43: {  	_ =	shalt  }
0x44: {  	_ =	shalt  }
0x45: {  	_ =	shalt  }
0x46: {  	_ =	shalt  }
0x47: {  	_ =	shalt  }
0x48: {  	_ =	shalt  }
0x49: {  	_ =	shalt  }
0x4a: {  	_ =	shalt  }
0x4b: {  	_ =	shalt  }
0x4c: {  	_ =	shalt  }
0x4d: {  	_ =	shalt  }
0x4e: {  	_ =	shalt  }
0x4f: {  	_ =	shalt  }
0x50: {  	_ =	shalt  }
0x51: {  	_ =	shalt  }
0x52: {  	_ =	shalt  }
0x53: {  	_ =	shalt  }
0x54: {  	_ =	shalt  }
0x55: {  	_ =	shalt  }
0x56: {  	_ =	shalt  }
0x57: {  	_ =	shalt  }
0x58: {  	_ =	shalt  }
0x59: {  	_ =	shalt  }
0x5a: {  	_ =	shalt  }
0x5b: {  	_ =	shalt  }
0x5c: {  	_ =	shalt  }
0x5d: {  	_ =	shalt  }
0x5e: {  	_ =	shalt  }
0x5f: {  	_ =	shalt  }
0x60: {  	_ =	shalt  }
0x61: {  	_ =	shalt  }
0x62: {  	_ =	shalt  }
0x63: {  	_ =	shalt  }
0x64: {  	_ =	shalt  }
0x65: {  	_ =	shalt  }
0x66: {  	_ =	shalt  }
0x67: {  	_ =	shalt  }
0x68: {  	_ =	shalt  }
0x69: {  	_ =	shalt  }
0x6a: {  	_ =	shalt  }
0x6b: {  	_ =	shalt  }
0x6c: {  	_ =	shalt  }
0x6d: {  	_ =	shalt  }
0x6e: {  	_ =	shalt  }
0x6f: {  	_ =	shalt  }
0x70: {  	_ =	shalt  }
0x71: {  	_ =	shalt  }
0x72: {  	_ =	shalt  }
0x73: {  	_ =	shalt  }
0x74: {  	_ =	shalt  }
0x75: {  	_ =	shalt  }
0x76: {  	_ =	shalt  }
0x77: {  	_ =	shalt  }
0x78: {  	_ =	shalt  }
0x79: {  	_ =	shalt  }
0x7a: {  	_ =	shalt  }
0x7b: {  	_ =	shalt  }
0x7c: {  	_ =	shalt  }
0x7d: {  	_ =	shalt  }
0x7e: {  	_ =	shalt  }
0x7f: {  	_ =	shalt  }
0x80: {  	_ =	shalt  }
0x81: {  	_ =	shalt  }
0x82: {  	_ =	shalt  }
0x83: {  	_ =	shalt  }
0x84: {  	_ =	shalt  }
0x85: {  	_ =	shalt  }
0x86: {  	_ =	shalt  }
0x87: {  	_ =	shalt  }
.Lfunc_end0:
.L_simem_size_0:
called_computation_lowered:
.L_overlay_start_0:
0x88: {  	s2 =	sld [smem:$0x3FD9]  }
0x89: {  	s3 =	sld [smem:$0x3FFE];
	_ =	sdelay $0x1  }
0x8a: {  	s1 =	srdreg.scid  }
0x8b: {  	s0 =	sand.u32 $0x1, s1  }
0x8c: {  	s17 =	sshll.u32 s0, $0xA;
	s2 =	sadd.s32 s3, s2  }
0x8d: {  	s2 =	sadd.s32 s2, s17  }
0x8e: {  	[smem:$0x3FC3] =	sst s2  }
0x8f: {  	_ = 	snop  }
0x90: {  	s2 =	sld [smem:$0x3FC9]  }
0x91: {  	s18 =	sld [smem:$0x3FD0];
	(tm) =	ssettm $0x1  }
0x92: {  	s4 =	sld [smem:$0x3FFB];
	_ =	sdelay $0x3  }
0x93: {  	_ =	strace s4  }
0x94: {  	s4 =	sld [smem:$0x3FFC];
	_ =	sdelay $0x3  }
0x95: {  	_ =	strace s4  }
0x96: {  	s4 =	sld [smem:$0x3FFD];
	_ =	sdelay $0x3  }
0x97: {  	_ =	strace s4  }
0x98: {  	_ =	strace $0x8FFFFFFF  }
0x99: {  	s19 =	sld [smem:$0x3FDB];
	_ =	sdelay $0x1  }
0x9a: {  	s5 =	simm.s32 $_scs_section_size  }
0x9b: {  	s6 =	simm.s32 $_size__tile_overlayer_lowered;
	s7 =	simm.s32 $_tile_overlayer_lowered  }
0x9c: {  	s22 =	simm.s32 $0x1BFF;
	s21 =	sshll.u32 s7, $0x1;
	s4 =	sadd.s32 s5, s19  }
0x9d: {  	s8 =	simm.s32 $0x0;
	s20 =	sshll.u32 s6, $0x1;
	s6 =	sadd.s32 s21, s4  }
0x9e: {  	[timem:s8], [sflag:s22] =	dma.local [hbm:s6], s20  }
0x9f: {  	_ =	swait.ge [sflag:s22], s20  }
0xa0: {  	s5 =	ssub.s32 $0x0, s20;
	[sflag:s22] =	ssyncset.done $0x0  }
0xa1: {  	[sflag:s22] =	ssyncadd.s32 s5;
	_ =	sdelay $0x1  }
0xa2: {  	s23 =	simm.s32 $0x1B8B  }
0xa3: {  	_ =	swait.ge [sflag:s23], $0x1  }
0xa4: {  	[sflag:s23] =	ssyncset.done $0x0  }
0xa5: {  	s25 =	simm.s32 $0x1B8E;
	s24 =	sld [smem:$0x3FFE];
	[sflag:s23] =	ssyncadd.s32 $0xFFFFFFFF  }
0xa6: {  	s26 =	simm.s32 $execute0_lowered;
	[smem:$0x3FD2] =	sst s25  }
0xa7: {  	s6 =	sshll.u32 s26, $0x1;
	_ =	strace $0x80000046;
	[dreg:$0x1] =	wrdreg $0xFFFFFFFF  }
0xa8: {  	s28 =	simm.s32 $_size_execute0_lowered;
	s4 =	sadd.s32 s4, s6;
	[dreg:$0x0] =	wrdreg $0x0  }
0xa9: {  	s6 =	sshll.u32 s28, $0x1;
	[dreg:$0x2] =	wrdreg s4  }
0xaa: {  	[dreg:$0x3] =	wrdreg s6  }
0xab: {  	[dreg:$0x4] =	wrdreg $0xC0  }
0xac: {  	_ =	task [dreg:s8], $0x5FFFF  }
0xad: {  	[dreg:$0x1] =	wrdreg $0xFFFFFFFF  }
0xae: {  	[dreg:$0x0] =	wrdreg $0x60  }
0xaf: {  	[dreg:$0x2] =	wrdreg s2  }
0xb0: {  	[dreg:$0x3] =	wrdreg s24  }
0xb1: {  	[dreg:$0x4] =	wrdreg s18  }
0xb2: {  	[dreg:$0x5] =	wrdreg $0x9  }
0xb3: {  	_ =	task.clear_ibuf [dreg:s8], $0x6FFFF;
	_ =	strace $0x90000046  }
0xb4: {  	s29 =	simm.s32 $0x9;
	_ =	strace $0x80000048  }
0xb5: {  	_ =	swait.ge [sflag:s29], $0x1  }
0xb6: {  	[sflag:s29] =	ssyncadd.s32 $0xFFFFFFFF  }
0xb7: {  	_ =	strace $0x90000048  }
0xb8: {  	_ =	sfence  }
0xb9: {  	s30 =	sld [smem:$0x0];
	_ =	sdelay $0x2  }
0xba: {  	s31 =	sshll.u32 s1, $0xD;
	s1 =	sshrl.u32 s1, $0x2  }
0xbb: {  	s3 =	sand.u32 $0x4000, s31;
	s1 =	sadd.s32 s1, s30  }
0xbc: {  	s0 =	sor.u32 s3, s0;
	s1 =	sshll.u32 s1, $0x11  }
0xbd: {  	s0 =	sor.u32 s1, s0  }
0xbe: {  	s0 =	sadd.s32 $0x8F2B, s0  }
0xbf: {  	[sflag:s0] =	ssyncadd.remote.s32 $0x1  }
0xc0: {  	_ =	sfence.sel $0xFFFF  }
0xc1: {  	[dreg:$0x0] =	wrdreg $0xFFFFFFFF;
	(pc) =	sbr.abs _section_cstart, $3  }
0xc2: {  	[dreg:$0x1] =	wrdreg $0xFFFFFFFF  }
0xc3: {  	_ =	task.clear_ibuf [dreg:s8], $0x2FFFF;
	_ =	strace $0x9FFFFFFF  }
0xc4: {  	(tm) =	ssettm $0x7FFFFFFF  }
0xc5: {  	_ =	shalt  }
tec
execute0_lowered:
.L_overlay_start_1:
0x0: {  	(tag) =	ssettag $0x1  }
0x1: {  	s0 =	rddreg [dreg:$0x0]  }
0x2: {  	s4 =	rddreg [dreg:$0x1];
	s3 =	srdreg.scid  }
0x3: {  	s2 =	rddreg [dreg:$0x2];
	s5 =	sand.u32 $0x1, s3;
	s3 =	simm.s32 $0x0  }
0x4: {  	s9 =	sadd.s32 $0x9800, s4;
	[smem:$0x7FF] =	sst s3  }
0x5: {  	s12 =	simm.s32 $0x880;
	_ =	strace $0x80000047;
	[dreg:$0x4] =	wrdreg s9  }
0x6: {  	s13 =	simm.s32 $0x1080;
	[dreg:$0x8] =	wrdreg s12  }
0x7: {  	s14 =	simm.s32 $0x1880;
	[dreg:$0x9] =	wrdreg s13  }
0x8: {  	s1 =	stileid.u32;
	s15 =	simm.s32 $0x2080;
	[dreg:$0xa] =	wrdreg s14  }
0x9: {  	s16 =	simm.s32 $0x2880;
	s18 =	simm.s32 $0x3080;
	[dreg:$0xb] =	wrdreg s15  }
0xa: {  	s19 =	simm.s32 $0x3880;
	s21 =	simm.s32 $0x4080;
	[dreg:$0xc] =	wrdreg s16  }
0xb: {  	s22 =	simm.s32 $0x4880;
	s23 =	simm.s32 $0x5080;
	[dreg:$0xd] =	wrdreg s18  }
0xc: {  	s24 =	simm.s32 $0x5880;
	s25 =	simm.s32 $0x6080;
	[dreg:$0xe] =	wrdreg s19  }
0xd: {  	s26 =	simm.s32 $0x6880;
	s10 =	simm.s32 $0x10080;
	[dreg:$0xf] =	wrdreg s21  }
0xe: {  	s28 =	simm.s32 $0xF080;
	s29 =	simm.s32 $0xF880;
	[dreg:$0x10] =	wrdreg s22  }
0xf: {  	s30 =	simm.s32 $0x40;
	s31 =	simm.s32 $0x1;
	[dreg:$0x11] =	wrdreg s23  }
0x10: {  	s6 =	sshll.u32 s1, $0x7;
	s7 =	sshll.u32 s5, $0x6;
	[dreg:$0x12] =	wrdreg s24  }
0x11: {  	s17 =	ssub.s32 $0x2, s5;
	s6 =	sor.u32 s7, s6;
	[dreg:$0x13] =	wrdreg s25  }
0x12: {  	s5 =	sshrl.u32 s17, $0x1;
	s9 =	simm.s32 $0x80;
	[dreg:$0x14] =	wrdreg s26  }
0x13: {  	s12 =	simm.s32 $0x7880;
	s13 =	simm.s32 $0x8080;
	s14 =	simm.s32 $0x8880  }
0x14: {  	s15 =	simm.s32 $0x9080;
	s16 =	simm.s32 $0x9880;
	s18 =	simm.s32 $0xA880  }
0x15: {  	s19 =	simm.s32 $0xB080;
	s21 =	simm.s32 $0xC080;
	s22 =	simm.s32 $0xC880  }
0x16: {  	s23 =	simm.s32 $0xD080;
	s24 =	simm.s32 $0xD880;
	s25 =	simm.s32 $0xE080  }
0x17: {  	s26 =	simm.s32 $0xE880;
	s7 =	sshrl.u32 s6, $0x3;
	s8 =	sshll.u32 s6, $0x4  }
0x18: {  	s6 =	sshll.u32 s6, $0x7;
	s20 =	ssub.s32 s17, s5;
	s5 =	sadd.s32 $0x200, s2  }
0x19: {  	s17 =	simm.s32 $0xA080;
	s7 =	sadd.s32 s7, s4;
	s4 =	sadd.s32 s8, s4  }
0x1a: {  	s0 =	sadd.s32 s0, s6;
	s6 =	sadd.s32 $0x300, s2;
	s8 =	simm.s32 $0x3  }
0x1b: {  	v2 =	vlaneseq.u32;
	s7 =	sadd.s32 $0x9600, s7;
	[dreg:$0x6] =	wrdreg s0;
	s11 =	sadd.s32 $0x1600, s4  }
0x1c: {  	vm0 =	vmmov $0xffff;
	v1 =	vshrl.u32 v2, $0x3;
	s4 =	sadd.s32 $0x100, s2;
	s0 =	simm.s32 $0x2;
	[dreg:$0x5] =	wrdreg s7  }
0x1d: {  	v0 =	vand.u32 $0x7, v2;
	v2 =	vor.u32 $0x8, v2;
	v1 =	vmul.u32 $0x8, v1;
	[dreg:$0x7] =	wrdreg s11;
	s7 =	smax.u32 s20, $0x1;
	s20 =	simm.s32 $0xB880  }
.LBB2_1:
0x1e: {  	s1 =	rddreg [dreg:$0x5]  }
0x1f: {  	[tilespmem:s3], [sflag:$0x3] =	stream.linear.gather [hbm4b:s1+s3], $0x40, $0x38;
	[tilespmem:$0x12080] =	vst v63  }
0x20: {  	_ =	swait.ge [sflag:s8], $0x40  }
0x21: {  	[sflag:s8] =	ssyncset.done $0x0  }
0x22: {  	s11 =	rddreg [dreg:$0x6];
	[sflag:s8] =	ssyncadd.s32 $0xFFFFFFC0  }
0x23: {  	[tilespmem:s9], [sflag:$0x3] =	stream.linear.gather [hbm4b:s11+s3], $0x10000, $0x38;
	[tilespmem:$0x12080] =	vst v63  }
0x24: {  	_ =	swait.ge [sflag:s8], $0x10000  }
0x25: {  	[sflag:s8] =	ssyncset.done $0x0  }
0x26: {  	s11 =	rddreg [dreg:$0x7];
	[sflag:s8] =	ssyncadd.s32 $0xFFFF0000  }
0x27: {  	[tilespmem:s10], [sflag:$0x3] =	stream.linear.gather [hbm4b:s11+s3], $0x2000, $0x38;
	[tilespmem:$0x12080] =	vst v63  }
0x28: {  	_ =	swait.ge [sflag:s8], $0x2000  }
0x29: {  	[sflag:s8] =	ssyncset.done $0x0  }
0x2a: {  	[sflag:s8] =	ssyncadd.s32 $0xFFFFE000  }
0x2b: {  	v3 =	vld [tilespmem:$0x0];
	_ =	sdelay $0x4  }
0x2c: {  	v4 =	vshll.u32 v3, $0x3  }
0x2d: {  	v3 =	vand.u32 $0x7, v3;
	v4 =	vand.u32 $0xFFFFFFC0, v4  }
0x2e: {  	v3 =	vor.u32 v3, v4  }
0x2f: {  	v4 =	vperm.xlane v3, v0;
	_ =	sdelay $0x1  }
0x30: {  	v4 =	vadd.s32 v1, v4;
	_ =	sdelay $0x4  }
0x31: {  	[hbm4b:s2+s3] =	stream.indirect_vreg.scatter [tilespmem:s9], [sflag:$0x1], $0x80, v4, vm0, $0xb8;
	[tilespmem:$0x12080] =	vst v63  }
0x32: {  	s1 =	rddreg [dreg:$0x8];
	v3 =	vperm.xlane v3, v2  }
0x33: {  	[hbm4b:s4+s3] =	stream.indirect_vreg.scatter [tilespmem:s1], [sflag:$0x1], $0x80, v4, vm0, $0xb8;
	[tilespmem:$0x12080] =	vst v63  }
0x34: {  	s11 =	rddreg [dreg:$0x9];
	v3 =	vadd.s32 v1, v3  }
0x35: {  	[hbm4b:s5+s3] =	stream.indirect_vreg.scatter [tilespmem:s11], [sflag:$0x1], $0x80, v4, vm0, $0xb8;
	[tilespmem:$0x12080] =	vst v63  }
0x36: {  	s1 =	rddreg [dreg:$0xa]  }
0x37: {  	[hbm4b:s6+s3] =	stream.indirect_vreg.scatter [tilespmem:s1], [sflag:$0x1], $0x80, v4, vm0, $0xb8;
	[tilespmem:$0x12080] =	vst v63  }
0x38: {  	s11 =	rddreg [dreg:$0xb]  }
0x39: {  	[hbm4b:s2+s3] =	stream.indirect_vreg.scatter [tilespmem:s11], [sflag:$0x1], $0x80, v3, vm0, $0xb8;
	[tilespmem:$0x12080] =	vst v63  }
0x3a: {  	s1 =	rddreg [dreg:$0xc]  }
0x3b: {  	[hbm4b:s4+s3] =	stream.indirect_vreg.scatter [tilespmem:s1], [sflag:$0x1], $0x80, v3, vm0, $0xb8;
	[tilespmem:$0x12080] =	vst v63  }
0x3c: {  	s11 =	rddreg [dreg:$0xd]  }
0x3d: {  	[hbm4b:s5+s3] =	stream.indirect_vreg.scatter [tilespmem:s11], [sflag:$0x1], $0x80, v3, vm0, $0xb8;
	[tilespmem:$0x12080] =	vst v63  }
0x3e: {  	s1 =	rddreg [dreg:$0xe]  }
0x3f: {  	[hbm4b:s6+s3] =	stream.indirect_vreg.scatter [tilespmem:s1], [sflag:$0x1], $0x80, v3, vm0, $0xb8;
	[tilespmem:$0x12080] =	vst v63  }
0x40: {  	v3 =	vld [tilespmem:$0x10];
	_ =	sdelay $0x4  }
0x41: {  	v61 =	vshll.u32 v3, $0x3  }
0x42: {  	v3 =	vand.u32 $0x7, v3;
	v4 =	vand.u32 $0xFFFFFFC0, v61  }
0x43: {  	v3 =	vor.u32 v3, v4  }
0x44: {  	v4 =	vperm.xlane v3, v0;
	_ =	sdelay $0x1  }
0x45: {  	v4 =	vadd.s32 v1, v4;
	_ =	sdelay $0x3  }
0x46: {  	s1 =	rddreg [dreg:$0xf]  }
0x47: {  	[hbm4b:s2+s3] =	stream.indirect_vreg.scatter [tilespmem:s1], [sflag:$0x1], $0x80, v4, vm0, $0xb8;
	[tilespmem:$0x12080] =	vst v63  }
0x48: {  	s11 =	rddreg [dreg:$0x10];
	v3 =	vperm.xlane v3, v2  }
0x49: {  	[hbm4b:s4+s3] =	stream.indirect_vreg.scatter [tilespmem:s11], [sflag:$0x1], $0x80, v4, vm0, $0xb8;
	[tilespmem:$0x12080] =	vst v63  }
0x4a: {  	v3 =	vadd.s32 v1, v3;
	s1 =	rddreg [dreg:$0x11]  }
0x4b: {  	[hbm4b:s5+s3] =	stream.indirect_vreg.scatter [tilespmem:s1], [sflag:$0x1], $0x80, v4, vm0, $0xb8;
	[tilespmem:$0x12080] =	vst v63  }
0x4c: {  	s11 =	rddreg [dreg:$0x12]  }
0x4d: {  	[hbm4b:s6+s3] =	stream.indirect_vreg.scatter [tilespmem:s11], [sflag:$0x1], $0x80, v4, vm0, $0xb8;
	[tilespmem:$0x12080] =	vst v63  }
0x4e: {  	s1 =	rddreg [dreg:$0x13]  }
0x4f: {  	[hbm4b:s2+s3] =	stream.indirect_vreg.scatter [tilespmem:s1], [sflag:$0x1], $0x80, v3, vm0, $0xb8;
	[tilespmem:$0x12080] =	vst v63  }
0x50: {  	s11 =	rddreg [dreg:$0x14]  }
0x51: {  	[hbm4b:s4+s3] =	stream.indirect_vreg.scatter [tilespmem:s11], [sflag:$0x1], $0x80, v3, vm0, $0xb8;
	[tilespmem:$0x12080] =	vst v63  }
0x52: {  	s11 =	simm.s32 $0x7080  }
0x53: {  	[hbm4b:s5+s3] =	stream.indirect_vreg.scatter [tilespmem:s11], [sflag:$0x1], $0x80, v3, vm0, $0xb8;
	[tilespmem:$0x12080] =	vst v63  }
0x54: {  	_ = 	snop  }
0x55: {  	[hbm4b:s6+s3] =	stream.indirect_vreg.scatter [tilespmem:s12], [sflag:$0x1], $0x80, v3, vm0, $0xb8;
	[tilespmem:$0x12080] =	vst v63  }
0x56: {  	v3 =	vld [tilespmem:$0x20];
	_ =	sdelay $0x4  }
0x57: {  	v62 =	vshll.u32 v3, $0x3  }
0x58: {  	v3 =	vand.u32 $0x7, v3;
	v4 =	vand.u32 $0xFFFFFFC0, v62  }
0x59: {  	v3 =	vor.u32 v3, v4  }
0x5a: {  	v4 =	vperm.xlane v3, v0;
	_ =	sdelay $0x1  }
0x5b: {  	v4 =	vadd.s32 v1, v4;
	_ =	sdelay $0x4  }
0x5c: {  	[hbm4b:s2+s3] =	stream.indirect_vreg.scatter [tilespmem:s13], [sflag:$0x1], $0x80, v4, vm0, $0xb8;
	[tilespmem:$0x12080] =	vst v63  }
0x5d: {  	v3 =	vperm.xlane v3, v2  }
0x5e: {  	[hbm4b:s4+s3] =	stream.indirect_vreg.scatter [tilespmem:s14], [sflag:$0x1], $0x80, v4, vm0, $0xb8;
	[tilespmem:$0x12080] =	vst v63  }
0x5f: {  	v3 =	vadd.s32 v1, v3  }
0x60: {  	[hbm4b:s5+s3] =	stream.indirect_vreg.scatter [tilespmem:s15], [sflag:$0x1], $0x80, v4, vm0, $0xb8;
	[tilespmem:$0x12080] =	vst v63  }
0x61: {  	_ = 	snop  }
0x62: {  	[hbm4b:s6+s3] =	stream.indirect_vreg.scatter [tilespmem:s16], [sflag:$0x1], $0x80, v4, vm0, $0xb8;
	[tilespmem:$0x12080] =	vst v63  }
0x63: {  	_ = 	snop  }
0x64: {  	[hbm4b:s2+s3] =	stream.indirect_vreg.scatter [tilespmem:s17], [sflag:$0x1], $0x80, v3, vm0, $0xb8;
	[tilespmem:$0x12080] =	vst v63  }
0x65: {  	_ = 	snop  }
0x66: {  	[hbm4b:s4+s3] =	stream.indirect_vreg.scatter [tilespmem:s18], [sflag:$0x1], $0x80, v3, vm0, $0xb8;
	[tilespmem:$0x12080] =	vst v63  }
0x67: {  	_ = 	snop  }
0x68: {  	[hbm4b:s5+s3] =	stream.indirect_vreg.scatter [tilespmem:s19], [sflag:$0x1], $0x80, v3, vm0, $0xb8;
	[tilespmem:$0x12080] =	vst v63  }
0x69: {  	_ = 	snop  }
0x6a: {  	[hbm4b:s6+s3] =	stream.indirect_vreg.scatter [tilespmem:s20], [sflag:$0x1], $0x80, v3, vm0, $0xb8;
	[tilespmem:$0x12080] =	vst v63  }
0x6b: {  	v3 =	vld [tilespmem:$0x30];
	_ =	sdelay $0x4  }
0x6c: {  	v63 =	vshll.u32 v3, $0x3  }
0x6d: {  	v3 =	vand.u32 $0x7, v3;
	v4 =	vand.u32 $0xFFFFFFC0, v63  }
0x6e: {  	v3 =	vor.u32 v3, v4  }
0x6f: {  	v4 =	vperm.xlane v3, v0;
	_ =	sdelay $0x1  }
0x70: {  	v4 =	vadd.s32 v1, v4;
	_ =	sdelay $0x4  }
0x71: {  	[hbm4b:s2+s3] =	stream.indirect_vreg.scatter [tilespmem:s21], [sflag:$0x1], $0x80, v4, vm0, $0xb8;
	[tilespmem:$0x12080] =	vst v63  }
0x72: {  	v3 =	vperm.xlane v3, v2  }
0x73: {  	[hbm4b:s4+s3] =	stream.indirect_vreg.scatter [tilespmem:s22], [sflag:$0x1], $0x80, v4, vm0, $0xb8;
	[tilespmem:$0x12080] =	vst v63  }
0x74: {  	v3 =	vadd.s32 v1, v3  }
0x75: {  	[hbm4b:s5+s3] =	stream.indirect_vreg.scatter [tilespmem:s23], [sflag:$0x1], $0x80, v4, vm0, $0xb8;
	[tilespmem:$0x12080] =	vst v63  }
0x76: {  	_ = 	snop  }
0x77: {  	[hbm4b:s6+s3] =	stream.indirect_vreg.scatter [tilespmem:s24], [sflag:$0x1], $0x80, v4, vm0, $0xb8;
	[tilespmem:$0x12080] =	vst v63  }
0x78: {  	_ = 	snop  }
0x79: {  	[hbm4b:s2+s3] =	stream.indirect_vreg.scatter [tilespmem:s25], [sflag:$0x1], $0x80, v3, vm0, $0xb8;
	[tilespmem:$0x12080] =	vst v63  }
0x7a: {  	_ = 	snop  }
0x7b: {  	[hbm4b:s4+s3] =	stream.indirect_vreg.scatter [tilespmem:s26], [sflag:$0x1], $0x80, v3, vm0, $0xb8;
	[tilespmem:$0x12080] =	vst v63  }
0x7c: {  	_ = 	snop  }
0x7d: {  	[hbm4b:s5+s3] =	stream.indirect_vreg.scatter [tilespmem:s28], [sflag:$0x1], $0x80, v3, vm0, $0xb8;
	[tilespmem:$0x12080] =	vst v63  }
0x7e: {  	_ = 	snop  }
0x7f: {  	[hbm4b:s6+s3] =	stream.indirect_vreg.scatter [tilespmem:s29], [sflag:$0x1], $0x80, v3, vm0, $0xb8;
	[tilespmem:$0x12080] =	vst v63  }
0x80: {  	s11 =	rddreg [dreg:$0x4]  }
0x81: {  	[hbm4b:s11+s30] =	stream.indirect.scatter [tilespmem:s10], [sflag:$0x2], $0x80, s3, s30, $0xb8;
	[tilespmem:$0x12080] =	vst v63  }
0x82: {  	p0 =	sne.s32 s7, $0x1;
	_ =	swait.ge [sflag:s31], $0x10000  }
.Ltmp0:
0x83: {  	[sflag:s31] =	ssyncset.done $0x0;
	(pc) =	sbr.rel @p0 .LBB2_1-.Ltmp0, $4  }
0x84: {  	[sflag:s31] =	ssyncadd.s32 $0xFFFF0000  }
0x85: {  	_ =	swait.ge [sflag:s0], $0x2000  }
0x86: {  	[sflag:s0] =	ssyncset.done $0x0  }
0x87: {  	s7 =	sadd.s32 $0xFFFFFFFF, s7;
	[sflag:s0] =	ssyncadd.s32 $0xFFFFE000  }
0x88: {  	_ =	sfence.sel $0x180000  }
0x89: {  	[bflag:$0x0] =	sbarrier.arrive $0xFFFF  }
0x8a: {  	_ =	strace $0x90000047  }
0x8b: {  	s0 =	stileid.u32;
	[bflag:$0x2] =	sbarrier.arrive $0xFFFF  }
0x8c: {  	p0 =	sne.s32 s0, $0x0;
	s0 =	rddreg [dreg:$0x3]  }
0x8d: {  	s0 =	sadd.s32 @!p0 $0x100000, s0  }
0x8e: {  	[sflag:s0] =	ssyncadd.tile.s32 @!p0 $0x1;
	_ =	shalt  }
.Lfunc_end2:
_tile_overlayer_lowered:
.L_overlay_start_2:
0x8f: {  	(tag) =	ssettag $0x2  }
0x90: {  	s0 =	rddreg [dreg:$0x0];
	s2 =	stileid.u32  }
0x91: {  	s1 =	rddreg [dreg:$0x1];
	p0 =	sne.s32 s2, $0x0  }
0x92: {  	s3 =	rddreg [dreg:$0x2];
	[bflag:$0x3] =	sbarrier.arrive $0xFFFF;
	s2 =	simm.s32 @!p0 $0x1C03  }
0x93: {  	[timem:s3], [sflag:s2] =	dma.local @!p0 [hbm:s0], s1  }
0x94: {  	s0 =	simm.s32 @!p0 $0x3  }
0x95: {  	_ =	swait.ge @!p0 [sflag:s0], s1  }
0x96: {  	s1 =	ssub.s32 @!p0 $0x0, s1;
	[sflag:s0] =	ssyncset.done @!p0 $0x0  }
0x97: {  	[sflag:s0] =	ssyncadd.s32 @!p0 s1  }
0x98: {  	[bflag:$0x3] =	sbarrier.arrive $0xFFFF  }
0x99: {  	_ =	shalt  }

// kernel: kernel.9.cloned.1.call-start
scs
__scs_entry_jumppad:
0x0: {  	(pc) =	sbr.rel $0x88, $3  }
0x1: {  	(tag) =	ssettag $0x0;
	lr =	simm.s32 $0x1  }
0x2: {  	[smem:$0x3F9C] =	sst lr;
	_ =	strace $0xD0000000  }
0x3: {  	_ = 	snop  }
0x4: {  	_ = 	snop  }
0x5: {  	_ = 	snop  }
0x6: {  	_ = 	snop  }
0x7: {  	_ = 	snop  }
__scs_overlays_trampoline_lowered:
0x8: {  	[smem:$0x3FAB] =	sst s0  }
0x9: {  	[smem:$0x3FAC] =	sst s1  }
0xa: {  	[smem:$0x3FAD] =	sst s2  }
0xb: {  	[smem:$0x3FAE] =	sst s3  }
0xc: {  	[smem:$0x3FAF] =	sst s4  }
0xd: {  	[smem:$0x3FB0] =	sst s5  }
0xe: {  	[smem:$0x3FB1] =	sst s6  }
0xf: {  	[smem:$0x3FB2] =	sst s7  }
0x10: {  	[smem:$0x3FB3] =	sst s8  }
0x11: {  	[smem:$0x3FB4] =	sst s9;
	s0 =	simm.s32 @!p0 $0x0  }
0x12: {  	s1 =	sld [smem:$0x3F9A];
	s0 =	simm.s32 @p0 $0x1  }
0x13: {  	[smem:$0x3FB5] =	sst s0;
	s0 =	simm.s32 @!p1 $0x0  }
0x14: {  	s2 =	sld [smem:$0x3F99];
	s0 =	simm.s32 @p1 $0x1  }
0x15: {  	[smem:$0x3FB6] =	sst s0;
	s0 =	simm.s32 @!p2 $0x0  }
0x16: {  	s3 =	sld [smem:$0x3FDB];
	s0 =	simm.s32 @p2 $0x1  }
0x17: {  	s4 =	simm.s32 $0x1BF5;
	[smem:$0x3FB8] =	sst s0  }
0x18: {  	s0 =	sld [smem:$0x3F9B];
	_ =	swait.ge [sflag:s4], $0x0  }
0x19: {  	s7 =	sld [smem:$0x3F9C]  }
0x1a: {  	s8 =	sadd.s32 $0xFFFFE003, lr  }
0x1b: {  	s9 =	sadd.s32 $0xFFFFFEF7, lr;
	s5 =	simm.s32 $0xFFFFFFFF;
	p2 =	slt.u32 s8, $0xFFFFF086  }
0x1c: {  	p1 =	slt.u32 s9, $0xF7A;
	s5 =	simm.s32 @!p2 $0x0  }
0x1d: {  	s5 =	simm.s32 @p1 $0x1;
	p0 =	seq.s32 s7, s2  }
0x1e: {  	s7 =	smul.u32 @!p0 $0xF7A, s2;
	p2 =	seq.s32 @!p0 s5, $0x0  }
0x1f: {  	s9 =	smul.u32 $0xF7A, s1;
	s8 =	simm.s32 @!p0 $0x1BF5;
	p2 =	por !p2, p0  }
0x20: {  	[sflag:s8] =	ssyncset.s32 @!p0 $0xFFFFF086;
	s6 =	sadd.s32 @!p0 s3, s7;
	s7 =	simm.s32 @!p0 $0x108  }
0x21: {  	s3 =	sadd.s32 s3, s9;
	s6 =	sadd.s32 @!p0 $0x88, s6;
	s7 =	simm.s32 @p2 $0x1082  }
0x22: {  	[simem:s7], [sflag:s8] =	dma.local @!p0 [hbm:s6], $0xF7A  }
0x23: {  	s9 =	sor.u32 $0xD0000000, s2;
	s6 =	simm.s32 $0x108;
	_ =	swait.ge @!p0 [sflag:s8], $0x0  }
0x24: {  	s3 =	sadd.s32 $0x88, s3;
	s6 =	simm.s32 @!p1 $0x1082;
	[sflag:s4] =	ssyncset.s32 $0xFFFFF086  }
0x25: {  	[simem:s6], [sflag:s4] =	dma.local [hbm:s3], $0xF7A  }
0x26: {  	[smem:$0x3F9C] =	sst s1;
	(tag) =	ssettag s2;
	_ =	strace s9  }
0x27: {  	s1 =	sld [smem:$0x3FAC]  }
0x28: {  	s2 =	sld [smem:$0x3FAD]  }
0x29: {  	s4 =	sld [smem:$0x3FAF]  }
0x2a: {  	p0 =	seq.s32 s5, $0x0;
	s5 =	sld [smem:$0x3FB0]  }
0x2b: {  	s6 =	sld [smem:$0x3FB1]  }
0x2c: {  	s7 =	sld [smem:$0x3FB2]  }
0x2d: {  	s3 =	simm.s32 $0x108;
	s8 =	sld [smem:$0x3FB3]  }
0x2e: {  	s3 =	simm.s32 @!p0 $0x1082;
	s9 =	sld [smem:$0x3FB4]  }
0x2f: {  	lr =	sadd.s32 s0, s3;
	s0 =	sld [smem:$0x3FAB]  }
0x30: {  	s3 =	sld [smem:$0x3FAE]  }
0x31: {  	[smem:$0x3FB7] =	sst s10  }
0x32: {  	s10 =	sld [smem:$0x3FB5];
	_ =	sdelay $0x3  }
0x33: {  	p0 =	seq.s32 s10, $0x1;
	s10 =	sld [smem:$0x3FB7];
	_ =	sdelay $0x3  }
0x34: {  	[smem:$0x3FB7] =	sst s10  }
0x35: {  	s10 =	sld [smem:$0x3FB6];
	_ =	sdelay $0x3  }
0x36: {  	p1 =	seq.s32 s10, $0x1;
	s10 =	sld [smem:$0x3FB7];
	_ =	sdelay $0x3  }
0x37: {  	[smem:$0x3FB7] =	sst s10  }
0x38: {  	s10 =	sld [smem:$0x3FB8]  }
0x39: {  	_ = 	snop;
	(pc) =	sbr.ind lr, $3  }
0x3a: {  	_ = 	snop  }
0x3b: {  	_ = 	snop  }
0x3c: {  	p2 =	seq.s32 s10, $0x1;
	s10 =	sld [smem:$0x3FB7]  }
0x3d: {  	_ =	shalt  }
0x3e: {  	_ =	shalt  }
0x3f: {  	_ =	shalt  }
0x40: {  	_ =	shalt  }
0x41: {  	_ =	shalt  }
0x42: {  	_ =	shalt  }
0x43: {  	_ =	shalt  }
0x44: {  	_ =	shalt  }
0x45: {  	_ =	shalt  }
0x46: {  	_ =	shalt  }
0x47: {  	_ =	shalt  }
0x48: {  	_ =	shalt  }
0x49: {  	_ =	shalt  }
0x4a: {  	_ =	shalt  }
0x4b: {  	_ =	shalt  }
0x4c: {  	_ =	shalt  }
0x4d: {  	_ =	shalt  }
0x4e: {  	_ =	shalt  }
0x4f: {  	_ =	shalt  }
0x50: {  	_ =	shalt  }
0x51: {  	_ =	shalt  }
0x52: {  	_ =	shalt  }
0x53: {  	_ =	shalt  }
0x54: {  	_ =	shalt  }
0x55: {  	_ =	shalt  }
0x56: {  	_ =	shalt  }
0x57: {  	_ =	shalt  }
0x58: {  	_ =	shalt  }
0x59: {  	_ =	shalt  }
0x5a: {  	_ =	shalt  }
0x5b: {  	_ =	shalt  }
0x5c: {  	_ =	shalt  }
0x5d: {  	_ =	shalt  }
0x5e: {  	_ =	shalt  }
0x5f: {  	_ =	shalt  }
0x60: {  	_ =	shalt  }
0x61: {  	_ =	shalt  }
0x62: {  	_ =	shalt  }
0x63: {  	_ =	shalt  }
0x64: {  	_ =	shalt  }
0x65: {  	_ =	shalt  }
0x66: {  	_ =	shalt  }
0x67: {  	_ =	shalt  }
0x68: {  	_ =	shalt  }
0x69: {  	_ =	shalt  }
0x6a: {  	_ =	shalt  }
0x6b: {  	_ =	shalt  }
0x6c: {  	_ =	shalt  }
0x6d: {  	_ =	shalt  }
0x6e: {  	_ =	shalt  }
0x6f: {  	_ =	shalt  }
0x70: {  	_ =	shalt  }
0x71: {  	_ =	shalt  }
0x72: {  	_ =	shalt  }
0x73: {  	_ =	shalt  }
0x74: {  	_ =	shalt  }
0x75: {  	_ =	shalt  }
0x76: {  	_ =	shalt  }
0x77: {  	_ =	shalt  }
0x78: {  	_ =	shalt  }
0x79: {  	_ =	shalt  }
0x7a: {  	_ =	shalt  }
0x7b: {  	_ =	shalt  }
0x7c: {  	_ =	shalt  }
0x7d: {  	_ =	shalt  }
0x7e: {  	_ =	shalt  }
0x7f: {  	_ =	shalt  }
0x80: {  	_ =	shalt  }
0x81: {  	_ =	shalt  }
0x82: {  	_ =	shalt  }
0x83: {  	_ =	shalt  }
0x84: {  	_ =	shalt  }
0x85: {  	_ =	shalt  }
0x86: {  	_ =	shalt  }
0x87: {  	_ =	shalt  }
.Lfunc_end0:
.L_simem_size_0:
called_computation.1_lowered:
.L_overlay_start_0:
0x88: {  	s2 =	sld [smem:$0x3FD9]  }
0x89: {  	s3 =	sld [smem:$0x3FFE];
	_ =	sdelay $0x1  }
0x8a: {  	s1 =	srdreg.scid  }
0x8b: {  	s0 =	sand.u32 $0x1, s1  }
0x8c: {  	s17 =	sshll.u32 s0, $0xA;
	s2 =	sadd.s32 s3, s2  }
0x8d: {  	s2 =	sadd.s32 s2, s17  }
0x8e: {  	[smem:$0x3FC3] =	sst s2  }
0x8f: {  	_ = 	snop  }
0x90: {  	s2 =	sld [smem:$0x3FD0];
	(tm) =	ssettm $0x1  }
0x91: {  	s18 =	sld [smem:$0x3FFB];
	_ =	sdelay $0x3  }
0x92: {  	_ =	strace s18  }
0x93: {  	s3 =	sld [smem:$0x3FFC];
	_ =	sdelay $0x3  }
0x94: {  	_ =	strace s3  }
0x95: {  	s3 =	sld [smem:$0x3FFD];
	_ =	sdelay $0x3  }
0x96: {  	_ =	strace s3  }
0x97: {  	_ =	strace $0x8FFFFFFF  }
0x98: {  	s19 =	sld [smem:$0x3FDB];
	_ =	sdelay $0x1  }
0x99: {  	s4 =	simm.s32 $_scs_section_size  }
0x9a: {  	s5 =	simm.s32 $_size__tile_overlayer_lowered;
	s6 =	simm.s32 $_tile_overlayer_lowered  }
0x9b: {  	s22 =	simm.s32 $0x1BFF;
	s21 =	sshll.u32 s6, $0x1;
	s3 =	sadd.s32 s4, s19  }
0x9c: {  	s7 =	simm.s32 $0x0;
	s20 =	sshll.u32 s5, $0x1;
	s5 =	sadd.s32 s21, s3  }
0x9d: {  	[timem:s7], [sflag:s22] =	dma.local [hbm:s5], s20  }
0x9e: {  	_ =	swait.ge [sflag:s22], s20  }
0x9f: {  	s4 =	ssub.s32 $0x0, s20;
	[sflag:s22] =	ssyncset.done $0x0  }
0xa0: {  	[sflag:s22] =	ssyncadd.s32 s4;
	_ =	sdelay $0x1  }
0xa1: {  	s23 =	simm.s32 $0x1B8B  }
0xa2: {  	_ =	swait.ge [sflag:s23], $0x1  }
0xa3: {  	[sflag:s23] =	ssyncset.done $0x0  }
0xa4: {  	s25 =	simm.s32 $0x1B8E;
	s24 =	sld [smem:$0x3FFE];
	[sflag:s23] =	ssyncadd.s32 $0xFFFFFFFF  }
0xa5: {  	s26 =	simm.s32 $execute0_lowered;
	[smem:$0x3FD2] =	sst s25  }
0xa6: {  	s5 =	sshll.u32 s26, $0x1;
	_ =	strace $0x80000049;
	[dreg:$0x1] =	wrdreg $0xFFFFFFFF  }
0xa7: {  	s28 =	simm.s32 $_size_execute0_lowered;
	s3 =	sadd.s32 s3, s5;
	[dreg:$0x0] =	wrdreg $0x0  }
0xa8: {  	s5 =	sshll.u32 s28, $0x1;
	[dreg:$0x2] =	wrdreg s3  }
0xa9: {  	[dreg:$0x3] =	wrdreg s5  }
0xaa: {  	[dreg:$0x4] =	wrdreg $0xC0  }
0xab: {  	_ =	task [dreg:s7], $0x5FFFF  }
0xac: {  	[dreg:$0x1] =	wrdreg $0xFFFFFFFF  }
0xad: {  	[dreg:$0x0] =	wrdreg $0x60  }
0xae: {  	[dreg:$0x2] =	wrdreg s24  }
0xaf: {  	[dreg:$0x3] =	wrdreg s2  }
0xb0: {  	[dreg:$0x4] =	wrdreg $0x9  }
0xb1: {  	_ =	task.clear_ibuf [dreg:s7], $0x5FFFF;
	_ =	strace $0x90000049  }
0xb2: {  	s29 =	simm.s32 $0x9;
	_ =	strace $0x8000004B  }
0xb3: {  	_ =	swait.ge [sflag:s29], $0x1  }
0xb4: {  	[sflag:s29] =	ssyncadd.s32 $0xFFFFFFFF  }
0xb5: {  	_ =	strace $0x9000004B  }
0xb6: {  	_ =	sfence  }
0xb7: {  	s30 =	sld [smem:$0x0];
	_ =	sdelay $0x2  }
0xb8: {  	s31 =	sshll.u32 s1, $0xD;
	s1 =	sshrl.u32 s1, $0x2  }
0xb9: {  	s3 =	sand.u32 $0x4000, s31;
	s1 =	sadd.s32 s1, s30  }
0xba: {  	s0 =	sor.u32 s3, s0;
	s1 =	sshll.u32 s1, $0x11  }
0xbb: {  	s0 =	sor.u32 s1, s0  }
0xbc: {  	s0 =	sadd.s32 $0x8F2B, s0  }
0xbd: {  	[sflag:s0] =	ssyncadd.remote.s32 $0x1  }
0xbe: {  	_ =	sfence.sel $0xFFFF  }
0xbf: {  	[dreg:$0x0] =	wrdreg $0xFFFFFFFF;
	(pc) =	sbr.abs _section_cstart, $3  }
0xc0: {  	[dreg:$0x1] =	wrdreg $0xFFFFFFFF  }
0xc1: {  	_ =	task.clear_ibuf [dreg:s7], $0x2FFFF;
	_ =	strace $0x9FFFFFFF  }
0xc2: {  	(tm) =	ssettm $0x7FFFFFFF  }
0xc3: {  	_ =	shalt  }
tec
execute0_lowered:
.L_overlay_start_1:
0x0: {  	(tag) =	ssettag $0x1  }
0x1: {  	s1 =	srdreg.scid  }
0x2: {  	s0 =	stileid.u32;
	s6 =	rddreg [dreg:$0x0]  }
0x3: {  	s4 =	rddreg [dreg:$0x1];
	s18 =	simm.s32 $0x880;
	s19 =	simm.s32 $0x1080  }
0x4: {  	s20 =	simm.s32 $0x1880;
	s22 =	simm.s32 $0x2080;
	s23 =	simm.s32 $0x2880  }
0x5: {  	s7 =	simm.s32 $0x3080;
	s24 =	simm.s32 $0x3880;
	s8 =	simm.s32 $0x4080  }
0x6: {  	s25 =	simm.s32 $0x4880;
	s26 =	simm.s32 $0x5080;
	s1 =	sand.u32 $0x1, s1  }
0x7: {  	s9 =	simm.s32 $0x80;
	s2 =	sshll.u32 s0, $0x7;
	s3 =	sshll.u32 s1, $0x6  }
0x8: {  	s11 =	simm.s32 $0x6080;
	s3 =	sor.u32 s3, s2;
	s2 =	simm.s32 $0x0  }
0x9: {  	s12 =	simm.s32 $0x6880;
	s13 =	simm.s32 $0x7080;
	[smem:$0x7FF] =	sst s2  }
0xa: {  	s14 =	simm.s32 $0x7880;
	_ =	strace $0x8000004A;
	[dreg:$0x5] =	wrdreg s18  }
0xb: {  	s15 =	simm.s32 $0x8080;
	s16 =	simm.s32 $0x8880;
	[dreg:$0x6] =	wrdreg s19  }
0xc: {  	s17 =	simm.s32 $0x9080;
	s28 =	simm.s32 $0xE080;
	[dreg:$0x7] =	wrdreg s20  }
0xd: {  	s29 =	simm.s32 $0xE880;
	s30 =	simm.s32 $0xF080;
	[dreg:$0x8] =	wrdreg s22  }
0xe: {  	s31 =	simm.s32 $0xF880;
	s1 =	ssub.s32 $0x2, s1;
	[dreg:$0x9] =	wrdreg s23  }
0xf: {  	s21 =	sshrl.u32 s1, $0x1;
	s5 =	sshrl.u32 s3, $0x3;
	[dreg:$0xa] =	wrdreg s7  }
0x10: {  	s3 =	sshll.u32 s3, $0x7;
	s1 =	ssub.s32 s1, s21;
	[dreg:$0xb] =	wrdreg s24  }
0x11: {  	s21 =	simm.s32 $0xB080;
	s5 =	sadd.s32 s5, s6;
	[dreg:$0xc] =	wrdreg s8  }
0x12: {  	s3 =	sadd.s32 s4, s3;
	s4 =	sadd.s32 $0x9900, s6;
	[dreg:$0xd] =	wrdreg s25  }
0x13: {  	s7 =	smax.u32 s1, $0x1;
	s8 =	simm.s32 $0x2;
	[dreg:$0xe] =	wrdreg s26  }
0x14: {  	s18 =	simm.s32 $0x9880;
	s19 =	simm.s32 $0xA080;
	s20 =	simm.s32 $0xA880  }
0x15: {  	s22 =	simm.s32 $0xB880;
	s23 =	simm.s32 $0xC080;
	s24 =	simm.s32 $0xC880  }
0x16: {  	v2 =	vlaneseq.u32;
	s25 =	simm.s32 $0xD080;
	s26 =	simm.s32 $0xD880;
	s1 =	simm.s32 $0x1  }
0x17: {  	vm0 =	vmmov $0xffff;
	v1 =	vshrl.u32 v2, $0x3;
	s5 =	sadd.s32 $0x9600, s5;
	[dreg:$0x4] =	wrdreg s3;
	s3 =	sadd.s32 $0x9800, s6  }
0x18: {  	v0 =	vand.u32 $0x7, v2;
	v2 =	vor.u32 $0x8, v2;
	v1 =	vmul.u32 $0x8, v1;
	[dreg:$0x3] =	wrdreg s5;
	s5 =	sadd.s32 $0x9A00, s6;
	s6 =	sadd.s32 $0x9B00, s6  }
.LBB2_1:
0x19: {  	s0 =	rddreg [dreg:$0x3]  }
0x1a: {  	[tilespmem:s2], [sflag:$0x2] =	stream.linear.gather [hbm4b:s0+s2], $0x40, $0x38;
	[tilespmem:$0x10080] =	vst v63  }
0x1b: {  	_ =	swait.ge [sflag:s8], $0x40  }
0x1c: {  	[sflag:s8] =	ssyncset.done $0x0  }
0x1d: {  	[sflag:s8] =	ssyncadd.s32 $0xFFFFFFC0  }
0x1e: {  	v3 =	vld [tilespmem:$0x0];
	_ =	sdelay $0x4  }
0x1f: {  	v4 =	vshll.u32 v3, $0x3  }
0x20: {  	v3 =	vand.u32 $0x7, v3;
	v4 =	vand.u32 $0xFFFFFFC0, v4  }
0x21: {  	v3 =	vor.u32 v3, v4  }
0x22: {  	v4 =	vperm.xlane v3, v0;
	_ =	sdelay $0x1  }
0x23: {  	v4 =	vadd.s32 v1, v4;
	_ =	sdelay $0x4  }
0x24: {  	[tilespmem:s9], [sflag:$0x1] =	stream.indirect_vreg.gather [hbm4b:s3+s2], $0x80, v4, vm0, $0xb8;
	[tilespmem:$0x10080] =	vst v63  }
0x25: {  	s0 =	rddreg [dreg:$0x5];
	v3 =	vperm.xlane v3, v2  }
0x26: {  	[tilespmem:s0], [sflag:$0x1] =	stream.indirect_vreg.gather [hbm4b:s4+s2], $0x80, v4, vm0, $0xb8;
	[tilespmem:$0x10080] =	vst v63  }
0x27: {  	s10 =	rddreg [dreg:$0x6];
	v3 =	vadd.s32 v1, v3  }
0x28: {  	[tilespmem:s10], [sflag:$0x1] =	stream.indirect_vreg.gather [hbm4b:s5+s2], $0x80, v4, vm0, $0xb8;
	[tilespmem:$0x10080] =	vst v63  }
0x29: {  	s0 =	rddreg [dreg:$0x7]  }
0x2a: {  	[tilespmem:s0], [sflag:$0x1] =	stream.indirect_vreg.gather [hbm4b:s6+s2], $0x80, v4, vm0, $0xb8;
	[tilespmem:$0x10080] =	vst v63  }
0x2b: {  	s10 =	rddreg [dreg:$0x8]  }
0x2c: {  	[tilespmem:s10], [sflag:$0x1] =	stream.indirect_vreg.gather [hbm4b:s3+s2], $0x80, v3, vm0, $0xb8;
	[tilespmem:$0x10080] =	vst v63  }
0x2d: {  	s0 =	rddreg [dreg:$0x9]  }
0x2e: {  	[tilespmem:s0], [sflag:$0x1] =	stream.indirect_vreg.gather [hbm4b:s4+s2], $0x80, v3, vm0, $0xb8;
	[tilespmem:$0x10080] =	vst v63  }
0x2f: {  	s10 =	rddreg [dreg:$0xa]  }
0x30: {  	[tilespmem:s10], [sflag:$0x1] =	stream.indirect_vreg.gather [hbm4b:s5+s2], $0x80, v3, vm0, $0xb8;
	[tilespmem:$0x10080] =	vst v63  }
0x31: {  	s0 =	rddreg [dreg:$0xb]  }
0x32: {  	[tilespmem:s0], [sflag:$0x1] =	stream.indirect_vreg.gather [hbm4b:s6+s2], $0x80, v3, vm0, $0xb8;
	[tilespmem:$0x10080] =	vst v63  }
0x33: {  	v3 =	vld [tilespmem:$0x10];
	_ =	sdelay $0x4  }
0x34: {  	v61 =	vshll.u32 v3, $0x3  }
0x35: {  	v3 =	vand.u32 $0x7, v3;
	v4 =	vand.u32 $0xFFFFFFC0, v61  }
0x36: {  	v3 =	vor.u32 v3, v4  }
0x37: {  	v4 =	vperm.xlane v3, v0;
	_ =	sdelay $0x1  }
0x38: {  	v4 =	vadd.s32 v1, v4;
	_ =	sdelay $0x3  }
0x39: {  	s0 =	rddreg [dreg:$0xc]  }
0x3a: {  	[tilespmem:s0], [sflag:$0x1] =	stream.indirect_vreg.gather [hbm4b:s3+s2], $0x80, v4, vm0, $0xb8;
	[tilespmem:$0x10080] =	vst v63  }
0x3b: {  	s10 =	rddreg [dreg:$0xd];
	v3 =	vperm.xlane v3, v2  }
0x3c: {  	[tilespmem:s10], [sflag:$0x1] =	stream.indirect_vreg.gather [hbm4b:s4+s2], $0x80, v4, vm0, $0xb8;
	[tilespmem:$0x10080] =	vst v63  }
0x3d: {  	v3 =	vadd.s32 v1, v3;
	s0 =	rddreg [dreg:$0xe]  }
0x3e: {  	[tilespmem:s0], [sflag:$0x1] =	stream.indirect_vreg.gather [hbm4b:s5+s2], $0x80, v4, vm0, $0xb8;
	[tilespmem:$0x10080] =	vst v63  }
0x3f: {  	s10 =	simm.s32 $0x5880  }
0x40: {  	[tilespmem:s10], [sflag:$0x1] =	stream.indirect_vreg.gather [hbm4b:s6+s2], $0x80, v4, vm0, $0xb8;
	[tilespmem:$0x10080] =	vst v63  }
0x41: {  	_ = 	snop  }
0x42: {  	[tilespmem:s11], [sflag:$0x1] =	stream.indirect_vreg.gather [hbm4b:s3+s2], $0x80, v3, vm0, $0xb8;
	[tilespmem:$0x10080] =	vst v63  }
0x43: {  	_ = 	snop  }
0x44: {  	[tilespmem:s12], [sflag:$0x1] =	stream.indirect_vreg.gather [hbm4b:s4+s2], $0x80, v3, vm0, $0xb8;
	[tilespmem:$0x10080] =	vst v63  }
0x45: {  	_ = 	snop  }
0x46: {  	[tilespmem:s13], [sflag:$0x1] =	stream.indirect_vreg.gather [hbm4b:s5+s2], $0x80, v3, vm0, $0xb8;
	[tilespmem:$0x10080] =	vst v63  }
0x47: {  	_ = 	snop  }
0x48: {  	[tilespmem:s14], [sflag:$0x1] =	stream.indirect_vreg.gather [hbm4b:s6+s2], $0x80, v3, vm0, $0xb8;
	[tilespmem:$0x10080] =	vst v63  }
0x49: {  	v3 =	vld [tilespmem:$0x20];
	_ =	sdelay $0x4  }
0x4a: {  	v62 =	vshll.u32 v3, $0x3  }
0x4b: {  	v3 =	vand.u32 $0x7, v3;
	v4 =	vand.u32 $0xFFFFFFC0, v62  }
0x4c: {  	v3 =	vor.u32 v3, v4  }
0x4d: {  	v4 =	vperm.xlane v3, v0;
	_ =	sdelay $0x1  }
0x4e: {  	v4 =	vadd.s32 v1, v4;
	_ =	sdelay $0x4  }
0x4f: {  	[tilespmem:s15], [sflag:$0x1] =	stream.indirect_vreg.gather [hbm4b:s3+s2], $0x80, v4, vm0, $0xb8;
	[tilespmem:$0x10080] =	vst v63  }
0x50: {  	v3 =	vperm.xlane v3, v2  }
0x51: {  	[tilespmem:s16], [sflag:$0x1] =	stream.indirect_vreg.gather [hbm4b:s4+s2], $0x80, v4, vm0, $0xb8;
	[tilespmem:$0x10080] =	vst v63  }
0x52: {  	v3 =	vadd.s32 v1, v3  }
0x53: {  	[tilespmem:s17], [sflag:$0x1] =	stream.indirect_vreg.gather [hbm4b:s5+s2], $0x80, v4, vm0, $0xb8;
	[tilespmem:$0x10080] =	vst v63  }
0x54: {  	_ = 	snop  }
0x55: {  	[tilespmem:s18], [sflag:$0x1] =	stream.indirect_vreg.gather [hbm4b:s6+s2], $0x80, v4, vm0, $0xb8;
	[tilespmem:$0x10080] =	vst v63  }
0x56: {  	_ = 	snop  }
0x57: {  	[tilespmem:s19], [sflag:$0x1] =	stream.indirect_vreg.gather [hbm4b:s3+s2], $0x80, v3, vm0, $0xb8;
	[tilespmem:$0x10080] =	vst v63  }
0x58: {  	_ = 	snop  }
0x59: {  	[tilespmem:s20], [sflag:$0x1] =	stream.indirect_vreg.gather [hbm4b:s4+s2], $0x80, v3, vm0, $0xb8;
	[tilespmem:$0x10080] =	vst v63  }
0x5a: {  	_ = 	snop  }
0x5b: {  	[tilespmem:s21], [sflag:$0x1] =	stream.indirect_vreg.gather [hbm4b:s5+s2], $0x80, v3, vm0, $0xb8;
	[tilespmem:$0x10080] =	vst v63  }
0x5c: {  	_ = 	snop  }
0x5d: {  	[tilespmem:s22], [sflag:$0x1] =	stream.indirect_vreg.gather [hbm4b:s6+s2], $0x80, v3, vm0, $0xb8;
	[tilespmem:$0x10080] =	vst v63  }
0x5e: {  	v3 =	vld [tilespmem:$0x30];
	_ =	sdelay $0x4  }
0x5f: {  	v63 =	vshll.u32 v3, $0x3  }
0x60: {  	v3 =	vand.u32 $0x7, v3;
	v4 =	vand.u32 $0xFFFFFFC0, v63  }
0x61: {  	v3 =	vor.u32 v3, v4  }
0x62: {  	v4 =	vperm.xlane v3, v0;
	_ =	sdelay $0x1  }
0x63: {  	v4 =	vadd.s32 v1, v4;
	_ =	sdelay $0x4  }
0x64: {  	[tilespmem:s23], [sflag:$0x1] =	stream.indirect_vreg.gather [hbm4b:s3+s2], $0x80, v4, vm0, $0xb8;
	[tilespmem:$0x10080] =	vst v63  }
0x65: {  	v3 =	vperm.xlane v3, v2  }
0x66: {  	[tilespmem:s24], [sflag:$0x1] =	stream.indirect_vreg.gather [hbm4b:s4+s2], $0x80, v4, vm0, $0xb8;
	[tilespmem:$0x10080] =	vst v63  }
0x67: {  	v3 =	vadd.s32 v1, v3  }
0x68: {  	[tilespmem:s25], [sflag:$0x1] =	stream.indirect_vreg.gather [hbm4b:s5+s2], $0x80, v4, vm0, $0xb8;
	[tilespmem:$0x10080] =	vst v63  }
0x69: {  	_ = 	snop  }
0x6a: {  	[tilespmem:s26], [sflag:$0x1] =	stream.indirect_vreg.gather [hbm4b:s6+s2], $0x80, v4, vm0, $0xb8;
	[tilespmem:$0x10080] =	vst v63  }
0x6b: {  	_ = 	snop  }
0x6c: {  	[tilespmem:s28], [sflag:$0x1] =	stream.indirect_vreg.gather [hbm4b:s3+s2], $0x80, v3, vm0, $0xb8;
	[tilespmem:$0x10080] =	vst v63  }
0x6d: {  	_ = 	snop  }
0x6e: {  	[tilespmem:s29], [sflag:$0x1] =	stream.indirect_vreg.gather [hbm4b:s4+s2], $0x80, v3, vm0, $0xb8;
	[tilespmem:$0x10080] =	vst v63  }
0x6f: {  	_ = 	snop  }
0x70: {  	[tilespmem:s30], [sflag:$0x1] =	stream.indirect_vreg.gather [hbm4b:s5+s2], $0x80, v3, vm0, $0xb8;
	[tilespmem:$0x10080] =	vst v63  }
0x71: {  	_ = 	snop  }
0x72: {  	[tilespmem:s31], [sflag:$0x1] =	stream.indirect_vreg.gather [hbm4b:s6+s2], $0x80, v3, vm0, $0xb8;
	[tilespmem:$0x10080] =	vst v63  }
0x73: {  	_ =	swait.ge [sflag:s1], $0x10000  }
0x74: {  	p0 =	sne.s32 s7, $0x1;
	[sflag:s1] =	ssyncset.done $0x0  }
.Ltmp0:
0x75: {  	s10 =	rddreg [dreg:$0x4];
	[sflag:s1] =	ssyncadd.s32 $0xFFFF0000;
	(pc) =	sbr.rel @p0 .LBB2_1-.Ltmp0, $4  }
0x76: {  	[hbm4b:s10+s2] =	stream.linear.scatter [tilespmem:s9], [sflag:$0x2], $0x10000, $0x38;
	[tilespmem:$0x10080] =	vst v63  }
0x77: {  	_ =	swait.ge [sflag:s8], $0x10000  }
0x78: {  	[sflag:s8] =	ssyncset.done $0x0  }
0x79: {  	s7 =	sadd.s32 $0xFFFFFFFF, s7;
	[sflag:s8] =	ssyncadd.s32 $0xFFFF0000  }
0x7a: {  	_ =	sfence.sel $0x180000  }
0x7b: {  	[bflag:$0x0] =	sbarrier.arrive $0xFFFF  }
0x7c: {  	_ =	strace $0x9000004A  }
0x7d: {  	s0 =	stileid.u32;
	[bflag:$0x2] =	sbarrier.arrive $0xFFFF  }
0x7e: {  	p0 =	sne.s32 s0, $0x0;
	s0 =	rddreg [dreg:$0x2]  }
0x7f: {  	s0 =	sadd.s32 @!p0 $0x100000, s0  }
0x80: {  	[sflag:s0] =	ssyncadd.tile.s32 @!p0 $0x1;
	_ =	shalt  }
.Lfunc_end2:
_tile_overlayer_lowered:
.L_overlay_start_2:
0x81: {  	(tag) =	ssettag $0x2  }
0x82: {  	s0 =	rddreg [dreg:$0x0];
	s2 =	stileid.u32  }
0x83: {  	s1 =	rddreg [dreg:$0x1];
	p0 =	sne.s32 s2, $0x0  }
0x84: {  	s3 =	rddreg [dreg:$0x2];
	[bflag:$0x3] =	sbarrier.arrive $0xFFFF;
	s2 =	simm.s32 @!p0 $0x1C02  }
0x85: {  	[timem:s3], [sflag:s2] =	dma.local @!p0 [hbm:s0], s1  }
0x86: {  	s0 =	simm.s32 @!p0 $0x2  }
0x87: {  	_ =	swait.ge @!p0 [sflag:s0], s1  }
0x88: {  	s1 =	ssub.s32 @!p0 $0x0, s1;
	[sflag:s0] =	ssyncset.done @!p0 $0x0  }
0x89: {  	[sflag:s0] =	ssyncadd.s32 @!p0 s1  }
0x8a: {  	[bflag:$0x3] =	sbarrier.arrive $0xFFFF  }
0x8b: {  	_ =	shalt  }

</sc_bundles>
